<compile_context>
chip_gen: v7x
topology: tpu7x:2x2x1
jax: 0.10.2.dev20260603
libtpu: 0.0.44.dev20260713+nightly
codegen_flags: <defaults>
</compile_context>

<pallas_src>
import functools

import jax
import jax.numpy as jnp
from jax import lax
from jax.experimental import pallas as pl
from jax.experimental.pallas import tpu as pltpu
from jax.experimental.pallas import tpu_sc as plsc

EMB = 64
NCODES = 1024
NTOK = 64 * 576


ROWS = 3072


def _argmin_body(x_ref, w_ref, xsq_ref, wsq_ref, idx_ref):
    w2 = w_ref[...]
    x = x_ref[...]
    xsq = xsq_ref[...].reshape(1, ROWS)
    wsq = wsq_ref[...]
    dot_t = lax.dot_general(
        w2, x, dimension_numbers=(((0,), (1,)), ((), ())),
        preferred_element_type=jnp.float32)
    scores_t = (xsq + dot_t) + wsq
    kmin = jnp.min(scores_t, axis=0, keepdims=True)
    code = lax.broadcasted_iota(jnp.int32, scores_t.shape, 0).astype(
        jnp.float32)
    idxf = jnp.min(jnp.where(scores_t == kmin, code, float(NCODES)), axis=0)
    idx_ref[...] = idxf.astype(jnp.int32)


def _tc_argmin(x_flat, w2, xsq, wsq):
    ntok = x_flat.shape[0]
    grid = ntok // ROWS
    xsq = xsq.reshape(grid, 1, ROWS)
    return pl.pallas_call(
        _argmin_body,
        grid=(grid,),
        in_specs=[
            pl.BlockSpec((ROWS, EMB), lambda i: (i, 0)),
            pl.BlockSpec((EMB, NCODES), lambda i: (0, 0)),
            pl.BlockSpec((1, 1, ROWS), lambda i: (i, 0, 0)),
            pl.BlockSpec((NCODES, 1), lambda i: (0, 0)),
        ],
        out_specs=pl.BlockSpec((ROWS,), lambda i: (i,)),
        out_shape=jax.ShapeDtypeStruct((ntok,), jnp.int32),
    )(x_flat, w2, xsq, wsq)



_NC, _NS = 2, 16
_NW = _NC * _NS
_HALF = NTOK // 2
_BPW = _HALF // _NW


_CHUNK = 288


def _sc_gather_body(table_hbm, idx_hbm, out_hbm, idx_v, rows_v, sg0, sg1,
                    sw0, sw1):
    wid = lax.axis_index("s") * _NC + lax.axis_index("c")
    base = wid * _BPW
    pltpu.sync_copy(idx_hbm.at[pl.ds(base, _BPW)], idx_v)

    def gather(c, buf, sem):
        return pltpu.async_copy(
            table_hbm.at[idx_v.at[pl.ds(c * _CHUNK, _CHUNK)]],
            rows_v.at[buf], sem)

    def write(c, buf, sem):
        return pltpu.async_copy(
            rows_v.at[buf], out_hbm.at[pl.ds(base + c * _CHUNK, _CHUNK)],
            sem)

    g0 = gather(0, 0, sg0)
    g1 = gather(1, 1, sg1)
    g0.wait()
    w0 = write(0, 0, sw0)
    g1.wait()
    w1 = write(1, 1, sw1)
    w0.wait()
    w1.wait()


@functools.cache
def _make_sc_gather():
    return functools.partial(
        pl.kernel,
        out_type=jax.ShapeDtypeStruct((_HALF, 128), jnp.float32),
        mesh=plsc.VectorSubcoreMesh(
            core_axis_name="c", subcore_axis_name="s", num_cores=_NC,
            num_subcores=_NS),
        scratch_types=[
            pltpu.VMEM((_BPW,), jnp.int32),
            pltpu.VMEM((2, _CHUNK, 128), jnp.float32),
            pltpu.SemaphoreType.DMA,
            pltpu.SemaphoreType.DMA,
            pltpu.SemaphoreType.DMA,
            pltpu.SemaphoreType.DMA,
        ],
    )(_sc_gather_body)


def kernel(x, w):
    x_flat = x.reshape(NTOK, EMB)
    wsq = jnp.sum(w ** 2, axis=0).reshape(NCODES, 1)
    w2 = -2.0 * w
    table = lax.pad(w.T, jnp.float32(0), ((0, 0, 0), (0, 128 - EMB, 0)))
    xsq = jnp.sum(x_flat ** 2, axis=1)
    gather = _make_sc_gather()
    idx_a = _tc_argmin(x_flat[:_HALF], w2, xsq[:_HALF], wsq)
    out_a = gather(table, idx_a)
    idx_b = _tc_argmin(x_flat[_HALF:], w2, xsq[_HALF:], wsq)
    out_b = gather(table, idx_b)
    out128 = jnp.concatenate([out_a, out_b], axis=0)
    return out128[:, :EMB].reshape(64, 576, EMB)

# --- scband reference (transcript-rebuilt; emitter-appended) ---
"""Pipeline reference for scband-vector-quantizer-21311627723517 (READ-ONLY COPY).

The authoritative reference and input builder live on the scoring server;
editing this copy changes nothing except your own understanding.
"""

import jax, jax.numpy as jnp
import numpy as np

EMBEDDING_DIM = 64
NUM_EMBEDDINGS = 1024
COMMITMENT_COST = 0.25
COEFF = 1.0


def setup_inputs(seed: int = 0) -> dict:
    key = jax.random.key(seed)
    k1, k2 = jax.random.split(key)
    x = jax.random.normal(k1, (64, 576, EMBEDDING_DIM), dtype=jnp.float32)
    # keras 'uniform' initializer: RandomUniform(-0.05, 0.05); weight shape (embedding_dim, num_embeddings)
    w = jax.random.uniform(k2, (EMBEDDING_DIM, NUM_EMBEDDINGS), dtype=jnp.float32, minval=-0.05, maxval=0.05)
    return {"x": x, "w": w}


def reference(x, w):
    # flatten tokens
    flat_inputs = jnp.reshape(x, (-1, EMBEDDING_DIM))
    # squared euclidean distances to each codebook entry
    distances = (jnp.sum(flat_inputs ** 2, axis=1, keepdims=True)
                 - 2.0 * jnp.dot(flat_inputs, w)
                 + jnp.sum(w ** 2, axis=0, keepdims=True))
    encoding_indices_flat = jnp.argmax(-distances, axis=1)
    encodings = jax.nn.one_hot(encoding_indices_flat, NUM_EMBEDDINGS, dtype=jnp.float32)
    encoding_indices = jnp.reshape(encoding_indices_flat, x.shape[:-1])
    # quantize: embedding lookup into transposed codebook
    quantized = jnp.take(jnp.transpose(w), encoding_indices, axis=0)
    # VQ losses (added via add_loss in the original layer; computed here for fidelity)
    e_latent_loss = jnp.mean((jax.lax.stop_gradient(quantized) - x) ** 2)
    q_latent_loss = jnp.mean((quantized - jax.lax.stop_gradient(x)) ** 2)
    loss = (q_latent_loss + COMMITMENT_COST * e_latent_loss) * COEFF
    # straight-through estimator
    quantized = x + jax.lax.stop_gradient(quantized - x)
    # perplexity (side quantity, computed for fidelity)
    avg_probs = jnp.mean(encodings, axis=0)
    perplexity = jnp.exp(-jnp.sum(avg_probs * jnp.log(avg_probs + 1e-10)))
    del loss, perplexity
    # n_outputs == 1 -> return quantized only
    return quantized

if __name__ == "__main__":
    import jax
    _d = setup_inputs()
    print(jax.jit(kernel)(*tuple(_d.values())))

</pallas_src>

<mosaic_0001>
#map = affine_map<(d0, d1) -> (0, 0)>
#map1 = affine_map<(d0, d1) -> (0)>
module attributes {stable_mosaic.version = 14 : i64} {
  func.func @_sc_gather_body(%arg0: i32, %arg1: i32, %arg2: memref<1024x128xf32, #tpu.memory_space<hbm>>, %arg3: memref<18432xi32, #tpu.memory_space<hbm>>, %arg4: memref<18432x128xf32, #tpu.memory_space<hbm>>, %arg5: memref<576xi32, #tpu.memory_space<vmem>>, %arg6: memref<2x288x128xf32, #tpu.memory_space<vmem>>, %arg7: memref<!tpu.dma_semaphore, #tpu.memory_space<semaphore_mem>>, %arg8: memref<!tpu.dma_semaphore, #tpu.memory_space<semaphore_mem>>, %arg9: memref<!tpu.dma_semaphore, #tpu.memory_space<semaphore_mem>>, %arg10: memref<!tpu.dma_semaphore, #tpu.memory_space<semaphore_mem>>) attributes {dimension_semantics = [#tpu.dimension_semantics<core_parallel>, #tpu.dimension_semantics<subcore_parallel>], iteration_bounds = array<i64: 2, 16>, scalar_prefetch = 0 : i64, scratch_operands = 6 : i64, tpu.core_type = #tpu.core_type<sc_vector_subcore>, window_params = [{transform_indices = #map}, {transform_indices = #map1}, {transform_indices = #map}]} {
    %mul3A = arith.constant 2 : i32
    %mul3A_0 = arith.muli %arg1, %mul3A : i32
    %add3A = arith.addi %mul3A_0, %arg0 : i32
    %mul3A_1 = arith.constant 576 : i32
    %mul3A_2 = arith.muli %add3A, %mul3A_1 : i32
    "tpu.region"() ({
      %run_scoped3A = tpu.sem_alloc : memref<!tpu.dma_semaphore, #tpu.memory_space<semaphore_mem>>
      %dma_start3A_97 = tpu.memref_slice %arg3[%mul3A_2] : memref<18432xi32, #tpu.memory_space<hbm>> -> memref<576xi32, #tpu.memory_space<hbm>>
      %dma_start3A_98 = tpu.memref_slice %arg3[%mul3A_2] : memref<18432xi32, #tpu.memory_space<hbm>> -> memref<576xi32, #tpu.memory_space<hbm>>
      tpu.enqueue_dma source(%dma_start3A_98 : memref<576xi32, #tpu.memory_space<hbm>>) target(%arg5 : memref<576xi32, #tpu.memory_space<vmem>>) target_semaphore(%run_scoped3A : memref<!tpu.dma_semaphore, #tpu.memory_space<semaphore_mem>>)
      %dma_wait3A_99 = tpu.memref_slice %arg3[%mul3A_2] : memref<18432xi32, #tpu.memory_space<hbm>> -> memref<576xi32, #tpu.memory_space<hbm>>
      %dma_wait3A_100 = tpu.memref_slice %arg3[%mul3A_2] : memref<18432xi32, #tpu.memory_space<hbm>> -> memref<576xi32, #tpu.memory_space<hbm>>
      tpu.wait_dma2 semaphore(%run_scoped3A : memref<!tpu.dma_semaphore, #tpu.memory_space<semaphore_mem>>) src(%dma_wait3A_100 : memref<576xi32, #tpu.memory_space<hbm>>) dst(%arg5 : memref<576xi32, #tpu.memory_space<vmem>>)
      tpu.yield
    }) : () -> ()
    %dma_start3A = arith.constant 0 : i32
    %dma_start3A_3 = arith.constant 0 : i32
    %dma_start3A_4 = arith.constant 0 : i32
    %dma_start3A_5 = tpu.memref_slice %arg6[%dma_start3A, %dma_start3A_3, %dma_start3A_4] : memref<2x288x128xf32, #tpu.memory_space<vmem>> -> memref<1x288x128xf32, #tpu.memory_space<vmem>>
    %dma_start3A_6 = tpu.memref_squeeze %dma_start3A_5 : memref<1x288x128xf32, #tpu.memory_space<vmem>> -> memref<288x128xf32, #tpu.memory_space<vmem>>
    %dma_start3A_7 = arith.constant 0 : i32
    %dma_start3A_8 = tpu.memref_slice %arg5[%dma_start3A_7] : memref<576xi32, #tpu.memory_space<vmem>> -> memref<288xi32, #tpu.memory_space<vmem>>
    %dma_start3A_9 = arith.constant 0 : i32
    %dma_start3A_10 = arith.constant 0 : i32
    %dma_start3A_11 = tpu.memref_slice %arg2[%dma_start3A_9, %dma_start3A_10] : memref<1024x128xf32, #tpu.memory_space<hbm>> -> memref<1024x128xf32, #tpu.memory_space<hbm>>
    tpu.enqueue_indirect_dma source(%dma_start3A_11 : memref<1024x128xf32, #tpu.memory_space<hbm>>) target(%dma_start3A_6 : memref<288x128xf32, #tpu.memory_space<vmem>>) offsets(%dma_start3A_8 : memref<288xi32, #tpu.memory_space<vmem>>) semaphore(%arg7 : memref<!tpu.dma_semaphore, #tpu.memory_space<semaphore_mem>>)
    %dma_start3A_12 = arith.constant 1 : i32
    %dma_start3A_13 = arith.constant 0 : i32
    %dma_start3A_14 = arith.constant 0 : i32
    %dma_start3A_15 = tpu.memref_slice %arg6[%dma_start3A_12, %dma_start3A_13, %dma_start3A_14] : memref<2x288x128xf32, #tpu.memory_space<vmem>> -> memref<1x288x128xf32, #tpu.memory_space<vmem>>
    %dma_start3A_16 = tpu.memref_squeeze %dma_start3A_15 : memref<1x288x128xf32, #tpu.memory_space<vmem>> -> memref<288x128xf32, #tpu.memory_space<vmem>>
    %dma_start3A_17 = arith.constant 288 : i32
    %dma_start3A_18 = tpu.memref_slice %arg5[%dma_start3A_17] : memref<576xi32, #tpu.memory_space<vmem>> -> memref<288xi32, #tpu.memory_space<vmem>>
    %dma_start3A_19 = arith.constant 0 : i32
    %dma_start3A_20 = arith.constant 0 : i32
    %dma_start3A_21 = tpu.memref_slice %arg2[%dma_start3A_19, %dma_start3A_20] : memref<1024x128xf32, #tpu.memory_space<hbm>> -> memref<1024x128xf32, #tpu.memory_space<hbm>>
    tpu.enqueue_indirect_dma source(%dma_start3A_21 : memref<1024x128xf32, #tpu.memory_space<hbm>>) target(%dma_start3A_16 : memref<288x128xf32, #tpu.memory_space<vmem>>) offsets(%dma_start3A_18 : memref<288xi32, #tpu.memory_space<vmem>>) semaphore(%arg8 : memref<!tpu.dma_semaphore, #tpu.memory_space<semaphore_mem>>)
    %dma_wait3A = arith.constant 0 : i32
    %dma_wait3A_22 = arith.constant 0 : i32
    %dma_wait3A_23 = arith.constant 0 : i32
    %dma_wait3A_24 = tpu.memref_slice %arg6[%dma_wait3A, %dma_wait3A_22, %dma_wait3A_23] : memref<2x288x128xf32, #tpu.memory_space<vmem>> -> memref<1x288x128xf32, #tpu.memory_space<vmem>>
    %dma_wait3A_25 = tpu.memref_squeeze %dma_wait3A_24 : memref<1x288x128xf32, #tpu.memory_space<vmem>> -> memref<288x128xf32, #tpu.memory_space<vmem>>
    %dma_wait3A_26 = arith.constant 0 : i32
    %dma_wait3A_27 = tpu.memref_slice %arg5[%dma_wait3A_26] : memref<576xi32, #tpu.memory_space<vmem>> -> memref<288xi32, #tpu.memory_space<vmem>>
    %dma_wait3A_28 = arith.constant 0 : i32
    %dma_wait3A_29 = arith.constant 0 : i32
    %dma_wait3A_30 = tpu.memref_slice %arg2[%dma_wait3A_28, %dma_wait3A_29] : memref<1024x128xf32, #tpu.memory_space<hbm>> -> memref<1024x128xf32, #tpu.memory_space<hbm>>
    tpu.wait_indirect_dma semaphore(%arg7 : memref<!tpu.dma_semaphore, #tpu.memory_space<semaphore_mem>>) src(%dma_wait3A_30 : memref<1024x128xf32, #tpu.memory_space<hbm>>) dst(%dma_wait3A_25 : memref<288x128xf32, #tpu.memory_space<vmem>>)
    %add3A_31 = arith.constant 0 : i32
    %add3A_32 = arith.addi %mul3A_2, %add3A_31 : i32
    %dma_start3A_33 = arith.constant 0 : i32
    %dma_start3A_34 = arith.constant 0 : i32
    %dma_start3A_35 = arith.constant 0 : i32
    %dma_start3A_36 = tpu.memref_slice %arg6[%dma_start3A_33, %dma_start3A_34, %dma_start3A_35] : memref<2x288x128xf32, #tpu.memory_space<vmem>> -> memref<1x288x128xf32, #tpu.memory_space<vmem>>
    %dma_start3A_37 = tpu.memref_squeeze %dma_start3A_36 : memref<1x288x128xf32, #tpu.memory_space<vmem>> -> memref<288x128xf32, #tpu.memory_space<vmem>>
    %dma_start3A_38 = arith.constant 0 : i32
    %dma_start3A_39 = tpu.memref_slice %arg4[%add3A_32, %dma_start3A_38] : memref<18432x128xf32, #tpu.memory_space<hbm>> -> memref<288x128xf32, #tpu.memory_space<hbm>>
    %dma_start3A_40 = arith.constant 0 : i32
    %dma_start3A_41 = tpu.memref_slice %arg4[%add3A_32, %dma_start3A_40] : memref<18432x128xf32, #tpu.memory_space<hbm>> -> memref<288x128xf32, #tpu.memory_space<hbm>>
    %dma_start3A_42 = arith.constant 0 : i32
    %dma_start3A_43 = arith.constant 0 : i32
    %dma_start3A_44 = tpu.memref_slice %arg6[%dma_start3A_33, %dma_start3A_42, %dma_start3A_43] : memref<2x288x128xf32, #tpu.memory_space<vmem>> -> memref<1x288x128xf32, #tpu.memory_space<vmem>>
    %dma_start3A_45 = tpu.memref_squeeze %dma_start3A_44 : memref<1x288x128xf32, #tpu.memory_space<vmem>> -> memref<288x128xf32, #tpu.memory_space<vmem>>
    tpu.enqueue_dma source(%dma_start3A_45 : memref<288x128xf32, #tpu.memory_space<vmem>>) target(%dma_start3A_41 : memref<288x128xf32, #tpu.memory_space<hbm>>) target_semaphore(%arg9 : memref<!tpu.dma_semaphore, #tpu.memory_space<semaphore_mem>>)
    %dma_wait3A_46 = arith.constant 1 : i32
    %dma_wait3A_47 = arith.constant 0 : i32
    %dma_wait3A_48 = arith.constant 0 : i32
    %dma_wait3A_49 = tpu.memref_slice %arg6[%dma_wait3A_46, %dma_wait3A_47, %dma_wait3A_48] : memref<2x288x128xf32, #tpu.memory_space<vmem>> -> memref<1x288x128xf32, #tpu.memory_space<vmem>>
    %dma_wait3A_50 = tpu.memref_squeeze %dma_wait3A_49 : memref<1x288x128xf32, #tpu.memory_space<vmem>> -> memref<288x128xf32, #tpu.memory_space<vmem>>
    %dma_wait3A_51 = arith.constant 288 : i32
    %dma_wait3A_52 = tpu.memref_slice %arg5[%dma_wait3A_51] : memref<576xi32, #tpu.memory_space<vmem>> -> memref<288xi32, #tpu.memory_space<vmem>>
    %dma_wait3A_53 = arith.constant 0 : i32
    %dma_wait3A_54 = arith.constant 0 : i32
    %dma_wait3A_55 = tpu.memref_slice %arg2[%dma_wait3A_53, %dma_wait3A_54] : memref<1024x128xf32, #tpu.memory_space<hbm>> -> memref<1024x128xf32, #tpu.memory_space<hbm>>
    tpu.wait_indirect_dma semaphore(%arg8 : memref<!tpu.dma_semaphore, #tpu.memory_space<semaphore_mem>>) src(%dma_wait3A_55 : memref<1024x128xf32, #tpu.memory_space<hbm>>) dst(%dma_wait3A_50 : memref<288x128xf32, #tpu.memory_space<vmem>>)
    %add3A_56 = arith.constant 288 : i32
    %add3A_57 = arith.addi %mul3A_2, %add3A_56 : i32
    %dma_start3A_58 = arith.constant 1 : i32
    %dma_start3A_59 = arith.constant 0 : i32
    %dma_start3A_60 = arith.constant 0 : i32
    %dma_start3A_61 = tpu.memref_slice %arg6[%dma_start3A_58, %dma_start3A_59, %dma_start3A_60] : memref<2x288x128xf32, #tpu.memory_space<vmem>> -> memref<1x288x128xf32, #tpu.memory_space<vmem>>
    %dma_start3A_62 = tpu.memref_squeeze %dma_start3A_61 : memref<1x288x128xf32, #tpu.memory_space<vmem>> -> memref<288x128xf32, #tpu.memory_space<vmem>>
    %dma_start3A_63 = arith.constant 0 : i32
    %dma_start3A_64 = tpu.memref_slice %arg4[%add3A_57, %dma_start3A_63] : memref<18432x128xf32, #tpu.memory_space<hbm>> -> memref<288x128xf32, #tpu.memory_space<hbm>>
    %dma_start3A_65 = arith.constant 0 : i32
    %dma_start3A_66 = tpu.memref_slice %arg4[%add3A_57, %dma_start3A_65] : memref<18432x128xf32, #tpu.memory_space<hbm>> -> memref<288x128xf32, #tpu.memory_space<hbm>>
    %dma_start3A_67 = arith.constant 0 : i32
    %dma_start3A_68 = arith.constant 0 : i32
    %dma_start3A_69 = tpu.memref_slice %arg6[%dma_start3A_58, %dma_start3A_67, %dma_start3A_68] : memref<2x288x128xf32, #tpu.memory_space<vmem>> -> memref<1x288x128xf32, #tpu.memory_space<vmem>>
    %dma_start3A_70 = tpu.memref_squeeze %dma_start3A_69 : memref<1x288x128xf32, #tpu.memory_space<vmem>> -> memref<288x128xf32, #tpu.memory_space<vmem>>
    tpu.enqueue_dma source(%dma_start3A_70 : memref<288x128xf32, #tpu.memory_space<vmem>>) target(%dma_start3A_66 : memref<288x128xf32, #tpu.memory_space<hbm>>) target_semaphore(%arg10 : memref<!tpu.dma_semaphore, #tpu.memory_space<semaphore_mem>>)
    %dma_wait3A_71 = arith.constant 0 : i32
    %dma_wait3A_72 = arith.constant 0 : i32
    %dma_wait3A_73 = arith.constant 0 : i32
    %dma_wait3A_74 = tpu.memref_slice %arg6[%dma_wait3A_71, %dma_wait3A_72, %dma_wait3A_73] : memref<2x288x128xf32, #tpu.memory_space<vmem>> -> memref<1x288x128xf32, #tpu.memory_space<vmem>>
    %dma_wait3A_75 = tpu.memref_squeeze %dma_wait3A_74 : memref<1x288x128xf32, #tpu.memory_space<vmem>> -> memref<288x128xf32, #tpu.memory_space<vmem>>
    %dma_wait3A_76 = arith.constant 0 : i32
    %dma_wait3A_77 = tpu.memref_slice %arg4[%add3A_32, %dma_wait3A_76] : memref<18432x128xf32, #tpu.memory_space<hbm>> -> memref<288x128xf32, #tpu.memory_space<hbm>>
    %dma_wait3A_78 = arith.constant 0 : i32
    %dma_wait3A_79 = tpu.memref_slice %arg4[%add3A_32, %dma_wait3A_78] : memref<18432x128xf32, #tpu.memory_space<hbm>> -> memref<288x128xf32, #tpu.memory_space<hbm>>
    %dma_wait3A_80 = arith.constant 0 : i32
    %dma_wait3A_81 = arith.constant 0 : i32
    %dma_wait3A_82 = tpu.memref_slice %arg6[%dma_wait3A_71, %dma_wait3A_80, %dma_wait3A_81] : memref<2x288x128xf32, #tpu.memory_space<vmem>> -> memref<1x288x128xf32, #tpu.memory_space<vmem>>
    %dma_wait3A_83 = tpu.memref_squeeze %dma_wait3A_82 : memref<1x288x128xf32, #tpu.memory_space<vmem>> -> memref<288x128xf32, #tpu.memory_space<vmem>>
    tpu.wait_dma2 semaphore(%arg9 : memref<!tpu.dma_semaphore, #tpu.memory_space<semaphore_mem>>) src(%dma_wait3A_83 : memref<288x128xf32, #tpu.memory_space<vmem>>) dst(%dma_wait3A_79 : memref<288x128xf32, #tpu.memory_space<hbm>>)
    %dma_wait3A_84 = arith.constant 1 : i32
    %dma_wait3A_85 = arith.constant 0 : i32
    %dma_wait3A_86 = arith.constant 0 : i32
    %dma_wait3A_87 = tpu.memref_slice %arg6[%dma_wait3A_84, %dma_wait3A_85, %dma_wait3A_86] : memref<2x288x128xf32, #tpu.memory_space<vmem>> -> memref<1x288x128xf32, #tpu.memory_space<vmem>>
    %dma_wait3A_88 = tpu.memref_squeeze %dma_wait3A_87 : memref<1x288x128xf32, #tpu.memory_space<vmem>> -> memref<288x128xf32, #tpu.memory_space<vmem>>
    %dma_wait3A_89 = arith.constant 0 : i32
    %dma_wait3A_90 = tpu.memref_slice %arg4[%add3A_57, %dma_wait3A_89] : memref<18432x128xf32, #tpu.memory_space<hbm>> -> memref<288x128xf32, #tpu.memory_space<hbm>>
    %dma_wait3A_91 = arith.constant 0 : i32
    %dma_wait3A_92 = tpu.memref_slice %arg4[%add3A_57, %dma_wait3A_91] : memref<18432x128xf32, #tpu.memory_space<hbm>> -> memref<288x128xf32, #tpu.memory_space<hbm>>
    %dma_wait3A_93 = arith.constant 0 : i32
    %dma_wait3A_94 = arith.constant 0 : i32
    %dma_wait3A_95 = tpu.memref_slice %arg6[%dma_wait3A_84, %dma_wait3A_93, %dma_wait3A_94] : memref<2x288x128xf32, #tpu.memory_space<vmem>> -> memref<1x288x128xf32, #tpu.memory_space<vmem>>
    %dma_wait3A_96 = tpu.memref_squeeze %dma_wait3A_95 : memref<1x288x128xf32, #tpu.memory_space<vmem>> -> memref<288x128xf32, #tpu.memory_space<vmem>>
    tpu.wait_dma2 semaphore(%arg10 : memref<!tpu.dma_semaphore, #tpu.memory_space<semaphore_mem>>) src(%dma_wait3A_96 : memref<288x128xf32, #tpu.memory_space<vmem>>) dst(%dma_wait3A_92 : memref<288x128xf32, #tpu.memory_space<hbm>>)
    return
  }
}

#map = affine_map<(d0, d1) -> (0, 0)>
#map1 = affine_map<(d0, d1) -> (0)>
module attributes {stable_mosaic.version = 14 : i64} {
  func.func @_sc_gather_body(%arg0: i32, %arg1: i32, %arg2: memref<1024x128xf32, #tpu.memory_space<hbm>>, %arg3: memref<18432xi32, #tpu.memory_space<hbm>>, %arg4: memref<18432x128xf32, #tpu.memory_space<hbm>>, %arg5: memref<576xi32, #tpu.memory_space<vmem>>, %arg6: memref<2x288x128xf32, #tpu.memory_space<vmem>>, %arg7: memref<!tpu.dma_semaphore, #tpu.memory_space<semaphore_mem>>, %arg8: memref<!tpu.dma_semaphore, #tpu.memory_space<semaphore_mem>>, %arg9: memref<!tpu.dma_semaphore, #tpu.memory_space<semaphore_mem>>, %arg10: memref<!tpu.dma_semaphore, #tpu.memory_space<semaphore_mem>>) attributes {dimension_semantics = [#tpu.dimension_semantics<core_parallel>, #tpu.dimension_semantics<subcore_parallel>], iteration_bounds = array<i64: 2, 16>, scalar_prefetch = 0 : i64, scratch_operands = 6 : i64, tpu.core_type = #tpu.core_type<sc_vector_subcore>, window_params = [{transform_indices = #map}, {transform_indices = #map1}, {transform_indices = #map}]} {
    %mul3A = arith.constant 2 : i32
    %mul3A_0 = arith.muli %arg1, %mul3A : i32
    %add3A = arith.addi %mul3A_0, %arg0 : i32
    %mul3A_1 = arith.constant 576 : i32
    %mul3A_2 = arith.muli %add3A, %mul3A_1 : i32
    "tpu.region"() ({
      %run_scoped3A = tpu.sem_alloc : memref<!tpu.dma_semaphore, #tpu.memory_space<semaphore_mem>>
      %dma_start3A_97 = tpu.memref_slice %arg3[%mul3A_2] : memref<18432xi32, #tpu.memory_space<hbm>> -> memref<576xi32, #tpu.memory_space<hbm>>
      %dma_start3A_98 = tpu.memref_slice %arg3[%mul3A_2] : memref<18432xi32, #tpu.memory_space<hbm>> -> memref<576xi32, #tpu.memory_space<hbm>>
      tpu.enqueue_dma source(%dma_start3A_98 : memref<576xi32, #tpu.memory_space<hbm>>) target(%arg5 : memref<576xi32, #tpu.memory_space<vmem>>) target_semaphore(%run_scoped3A : memref<!tpu.dma_semaphore, #tpu.memory_space<semaphore_mem>>)
      %dma_wait3A_99 = tpu.memref_slice %arg3[%mul3A_2] : memref<18432xi32, #tpu.memory_space<hbm>> -> memref<576xi32, #tpu.memory_space<hbm>>
      %dma_wait3A_100 = tpu.memref_slice %arg3[%mul3A_2] : memref<18432xi32, #tpu.memory_space<hbm>> -> memref<576xi32, #tpu.memory_space<hbm>>
      tpu.wait_dma2 semaphore(%run_scoped3A : memref<!tpu.dma_semaphore, #tpu.memory_space<semaphore_mem>>) src(%dma_wait3A_100 : memref<576xi32, #tpu.memory_space<hbm>>) dst(%arg5 : memref<576xi32, #tpu.memory_space<vmem>>)
      tpu.yield
    }) : () -> ()
    %dma_start3A = arith.constant 0 : i32
    %dma_start3A_3 = arith.constant 0 : i32
    %dma_start3A_4 = arith.constant 0 : i32
    %dma_start3A_5 = tpu.memref_slice %arg6[%dma_start3A, %dma_start3A_3, %dma_start3A_4] : memref<2x288x128xf32, #tpu.memory_space<vmem>> -> memref<1x288x128xf32, #tpu.memory_space<vmem>>
    %dma_start3A_6 = tpu.memref_squeeze %dma_start3A_5 : memref<1x288x128xf32, #tpu.memory_space<vmem>> -> memref<288x128xf32, #tpu.memory_space<vmem>>
    %dma_start3A_7 = arith.constant 0 : i32
    %dma_start3A_8 = tpu.memref_slice %arg5[%dma_start3A_7] : memref<576xi32, #tpu.memory_space<vmem>> -> memref<288xi32, #tpu.memory_space<vmem>>
    %dma_start3A_9 = arith.constant 0 : i32
    %dma_start3A_10 = arith.constant 0 : i32
    %dma_start3A_11 = tpu.memref_slice %arg2[%dma_start3A_9, %dma_start3A_10] : memref<1024x128xf32, #tpu.memory_space<hbm>> -> memref<1024x128xf32, #tpu.memory_space<hbm>>
    tpu.enqueue_indirect_dma source(%dma_start3A_11 : memref<1024x128xf32, #tpu.memory_space<hbm>>) target(%dma_start3A_6 : memref<288x128xf32, #tpu.memory_space<vmem>>) offsets(%dma_start3A_8 : memref<288xi32, #tpu.memory_space<vmem>>) semaphore(%arg7 : memref<!tpu.dma_semaphore, #tpu.memory_space<semaphore_mem>>)
    %dma_start3A_12 = arith.constant 1 : i32
    %dma_start3A_13 = arith.constant 0 : i32
    %dma_start3A_14 = arith.constant 0 : i32
    %dma_start3A_15 = tpu.memref_slice %arg6[%dma_start3A_12, %dma_start3A_13, %dma_start3A_14] : memref<2x288x128xf32, #tpu.memory_space<vmem>> -> memref<1x288x128xf32, #tpu.memory_space<vmem>>
    %dma_start3A_16 = tpu.memref_squeeze %dma_start3A_15 : memref<1x288x128xf32, #tpu.memory_space<vmem>> -> memref<288x128xf32, #tpu.memory_space<vmem>>
    %dma_start3A_17 = arith.constant 288 : i32
    %dma_start3A_18 = tpu.memref_slice %arg5[%dma_start3A_17] : memref<576xi32, #tpu.memory_space<vmem>> -> memref<288xi32, #tpu.memory_space<vmem>>
    %dma_start3A_19 = arith.constant 0 : i32
    %dma_start3A_20 = arith.constant 0 : i32
    %dma_start3A_21 = tpu.memref_slice %arg2[%dma_start3A_19, %dma_start3A_20] : memref<1024x128xf32, #tpu.memory_space<hbm>> -> memref<1024x128xf32, #tpu.memory_space<hbm>>
    tpu.enqueue_indirect_dma source(%dma_start3A_21 : memref<1024x128xf32, #tpu.memory_space<hbm>>) target(%dma_start3A_16 : memref<288x128xf32, #tpu.memory_space<vmem>>) offsets(%dma_start3A_18 : memref<288xi32, #tpu.memory_space<vmem>>) semaphore(%arg8 : memref<!tpu.dma_semaphore, #tpu.memory_space<semaphore_mem>>)
    %dma_wait3A = arith.constant 0 : i32
    %dma_wait3A_22 = arith.constant 0 : i32
    %dma_wait3A_23 = arith.constant 0 : i32
    %dma_wait3A_24 = tpu.memref_slice %arg6[%dma_wait3A, %dma_wait3A_22, %dma_wait3A_23] : memref<2x288x128xf32, #tpu.memory_space<vmem>> -> memref<1x288x128xf32, #tpu.memory_space<vmem>>
    %dma_wait3A_25 = tpu.memref_squeeze %dma_wait3A_24 : memref<1x288x128xf32, #tpu.memory_space<vmem>> -> memref<288x128xf32, #tpu.memory_space<vmem>>
    %dma_wait3A_26 = arith.constant 0 : i32
    %dma_wait3A_27 = tpu.memref_slice %arg5[%dma_wait3A_26] : memref<576xi32, #tpu.memory_space<vmem>> -> memref<288xi32, #tpu.memory_space<vmem>>
    %dma_wait3A_28 = arith.constant 0 : i32
    %dma_wait3A_29 = arith.constant 0 : i32
    %dma_wait3A_30 = tpu.memref_slice %arg2[%dma_wait3A_28, %dma_wait3A_29] : memref<1024x128xf32, #tpu.memory_space<hbm>> -> memref<1024x128xf32, #tpu.memory_space<hbm>>
    tpu.wait_indirect_dma semaphore(%arg7 : memref<!tpu.dma_semaphore, #tpu.memory_space<semaphore_mem>>) src(%dma_wait3A_30 : memref<1024x128xf32, #tpu.memory_space<hbm>>) dst(%dma_wait3A_25 : memref<288x128xf32, #tpu.memory_space<vmem>>)
    %add3A_31 = arith.constant 0 : i32
    %add3A_32 = arith.addi %mul3A_2, %add3A_31 : i32
    %dma_start3A_33 = arith.constant 0 : i32
    %dma_start3A_34 = arith.constant 0 : i32
    %dma_start3A_35 = arith.constant 0 : i32
    %dma_start3A_36 = tpu.memref_slice %arg6[%dma_start3A_33, %dma_start3A_34, %dma_start3A_35] : memref<2x288x128xf32, #tpu.memory_space<vmem>> -> memref<1x288x128xf32, #tpu.memory_space<vmem>>
    %dma_start3A_37 = tpu.memref_squeeze %dma_start3A_36 : memref<1x288x128xf32, #tpu.memory_space<vmem>> -> memref<288x128xf32, #tpu.memory_space<vmem>>
    %dma_start3A_38 = arith.constant 0 : i32
    %dma_start3A_39 = tpu.memref_slice %arg4[%add3A_32, %dma_start3A_38] : memref<18432x128xf32, #tpu.memory_space<hbm>> -> memref<288x128xf32, #tpu.memory_space<hbm>>
    %dma_start3A_40 = arith.constant 0 : i32
    %dma_start3A_41 = tpu.memref_slice %arg4[%add3A_32, %dma_start3A_40] : memref<18432x128xf32, #tpu.memory_space<hbm>> -> memref<288x128xf32, #tpu.memory_space<hbm>>
    %dma_start3A_42 = arith.constant 0 : i32
    %dma_start3A_43 = arith.constant 0 : i32
    %dma_start3A_44 = tpu.memref_slice %arg6[%dma_start3A_33, %dma_start3A_42, %dma_start3A_43] : memref<2x288x128xf32, #tpu.memory_space<vmem>> -> memref<1x288x128xf32, #tpu.memory_space<vmem>>
    %dma_start3A_45 = tpu.memref_squeeze %dma_start3A_44 : memref<1x288x128xf32, #tpu.memory_space<vmem>> -> memref<288x128xf32, #tpu.memory_space<vmem>>
    tpu.enqueue_dma source(%dma_start3A_45 : memref<288x128xf32, #tpu.memory_space<vmem>>) target(%dma_start3A_41 : memref<288x128xf32, #tpu.memory_space<hbm>>) target_semaphore(%arg9 : memref<!tpu.dma_semaphore, #tpu.memory_space<semaphore_mem>>)
    %dma_wait3A_46 = arith.constant 1 : i32
    %dma_wait3A_47 = arith.constant 0 : i32
    %dma_wait3A_48 = arith.constant 0 : i32
    %dma_wait3A_49 = tpu.memref_slice %arg6[%dma_wait3A_46, %dma_wait3A_47, %dma_wait3A_48] : memref<2x288x128xf32, #tpu.memory_space<vmem>> -> memref<1x288x128xf32, #tpu.memory_space<vmem>>
    %dma_wait3A_50 = tpu.memref_squeeze %dma_wait3A_49 : memref<1x288x128xf32, #tpu.memory_space<vmem>> -> memref<288x128xf32, #tpu.memory_space<vmem>>
    %dma_wait3A_51 = arith.constant 288 : i32
    %dma_wait3A_52 = tpu.memref_slice %arg5[%dma_wait3A_51] : memref<576xi32, #tpu.memory_space<vmem>> -> memref<288xi32, #tpu.memory_space<vmem>>
    %dma_wait3A_53 = arith.constant 0 : i32
    %dma_wait3A_54 = arith.constant 0 : i32
    %dma_wait3A_55 = tpu.memref_slice %arg2[%dma_wait3A_53, %dma_wait3A_54] : memref<1024x128xf32, #tpu.memory_space<hbm>> -> memref<1024x128xf32, #tpu.memory_space<hbm>>
    tpu.wait_indirect_dma semaphore(%arg8 : memref<!tpu.dma_semaphore, #tpu.memory_space<semaphore_mem>>) src(%dma_wait3A_55 : memref<1024x128xf32, #tpu.memory_space<hbm>>) dst(%dma_wait3A_50 : memref<288x128xf32, #tpu.memory_space<vmem>>)
    %add3A_56 = arith.constant 288 : i32
    %add3A_57 = arith.addi %mul3A_2, %add3A_56 : i32
    %dma_start3A_58 = arith.constant 1 : i32
    %dma_start3A_59 = arith.constant 0 : i32
    %dma_start3A_60 = arith.constant 0 : i32
    %dma_start3A_61 = tpu.memref_slice %arg6[%dma_start3A_58, %dma_start3A_59, %dma_start3A_60] : memref<2x288x128xf32, #tpu.memory_space<vmem>> -> memref<1x288x128xf32, #tpu.memory_space<vmem>>
    %dma_start3A_62 = tpu.memref_squeeze %dma_start3A_61 : memref<1x288x128xf32, #tpu.memory_space<vmem>> -> memref<288x128xf32, #tpu.memory_space<vmem>>
    %dma_start3A_63 = arith.constant 0 : i32
    %dma_start3A_64 = tpu.memref_slice %arg4[%add3A_57, %dma_start3A_63] : memref<18432x128xf32, #tpu.memory_space<hbm>> -> memref<288x128xf32, #tpu.memory_space<hbm>>
    %dma_start3A_65 = arith.constant 0 : i32
    %dma_start3A_66 = tpu.memref_slice %arg4[%add3A_57, %dma_start3A_65] : memref<18432x128xf32, #tpu.memory_space<hbm>> -> memref<288x128xf32, #tpu.memory_space<hbm>>
    %dma_start3A_67 = arith.constant 0 : i32
    %dma_start3A_68 = arith.constant 0 : i32
    %dma_start3A_69 = tpu.memref_slice %arg6[%dma_start3A_58, %dma_start3A_67, %dma_start3A_68] : memref<2x288x128xf32, #tpu.memory_space<vmem>> -> memref<1x288x128xf32, #tpu.memory_space<vmem>>
    %dma_start3A_70 = tpu.memref_squeeze %dma_start3A_69 : memref<1x288x128xf32, #tpu.memory_space<vmem>> -> memref<288x128xf32, #tpu.memory_space<vmem>>
    tpu.enqueue_dma source(%dma_start3A_70 : memref<288x128xf32, #tpu.memory_space<vmem>>) target(%dma_start3A_66 : memref<288x128xf32, #tpu.memory_space<hbm>>) target_semaphore(%arg10 : memref<!tpu.dma_semaphore, #tpu.memory_space<semaphore_mem>>)
    %dma_wait3A_71 = arith.constant 0 : i32
    %dma_wait3A_72 = arith.constant 0 : i32
    %dma_wait3A_73 = arith.constant 0 : i32
    %dma_wait3A_74 = tpu.memref_slice %arg6[%dma_wait3A_71, %dma_wait3A_72, %dma_wait3A_73] : memref<2x288x128xf32, #tpu.memory_space<vmem>> -> memref<1x288x128xf32, #tpu.memory_space<vmem>>
    %dma_wait3A_75 = tpu.memref_squeeze %dma_wait3A_74 : memref<1x288x128xf32, #tpu.memory_space<vmem>> -> memref<288x128xf32, #tpu.memory_space<vmem>>
    %dma_wait3A_76 = arith.constant 0 : i32
    %dma_wait3A_77 = tpu.memref_slice %arg4[%add3A_32, %dma_wait3A_76] : memref<18432x128xf32, #tpu.memory_space<hbm>> -> memref<288x128xf32, #tpu.memory_space<hbm>>
    %dma_wait3A_78 = arith.constant 0 : i32
    %dma_wait3A_79 = tpu.memref_slice %arg4[%add3A_32, %dma_wait3A_78] : memref<18432x128xf32, #tpu.memory_space<hbm>> -> memref<288x128xf32, #tpu.memory_space<hbm>>
    %dma_wait3A_80 = arith.constant 0 : i32
    %dma_wait3A_81 = arith.constant 0 : i32
    %dma_wait3A_82 = tpu.memref_slice %arg6[%dma_wait3A_71, %dma_wait3A_80, %dma_wait3A_81] : memref<2x288x128xf32, #tpu.memory_space<vmem>> -> memref<1x288x128xf32, #tpu.memory_space<vmem>>
    %dma_wait3A_83 = tpu.memref_squeeze %dma_wait3A_82 : memref<1x288x128xf32, #tpu.memory_space<vmem>> -> memref<288x128xf32, #tpu.memory_space<vmem>>
    tpu.wait_dma2 semaphore(%arg9 : memref<!tpu.dma_semaphore, #tpu.memory_space<semaphore_mem>>) src(%dma_wait3A_83 : memref<288x128xf32, #tpu.memory_space<vmem>>) dst(%dma_wait3A_79 : memref<288x128xf32, #tpu.memory_space<hbm>>)
    %dma_wait3A_84 = arith.constant 1 : i32
    %dma_wait3A_85 = arith.constant 0 : i32
    %dma_wait3A_86 = arith.constant 0 : i32
    %dma_wait3A_87 = tpu.memref_slice %arg6[%dma_wait3A_84, %dma_wait3A_85, %dma_wait3A_86] : memref<2x288x128xf32, #tpu.memory_space<vmem>> -> memref<1x288x128xf32, #tpu.memory_space<vmem>>
    %dma_wait3A_88 = tpu.memref_squeeze %dma_wait3A_87 : memref<1x288x128xf32, #tpu.memory_space<vmem>> -> memref<288x128xf32, #tpu.memory_space<vmem>>
    %dma_wait3A_89 = arith.constant 0 : i32
    %dma_wait3A_90 = tpu.memref_slice %arg4[%add3A_57, %dma_wait3A_89] : memref<18432x128xf32, #tpu.memory_space<hbm>> -> memref<288x128xf32, #tpu.memory_space<hbm>>
    %dma_wait3A_91 = arith.constant 0 : i32
    %dma_wait3A_92 = tpu.memref_slice %arg4[%add3A_57, %dma_wait3A_91] : memref<18432x128xf32, #tpu.memory_space<hbm>> -> memref<288x128xf32, #tpu.memory_space<hbm>>
    %dma_wait3A_93 = arith.constant 0 : i32
    %dma_wait3A_94 = arith.constant 0 : i32
    %dma_wait3A_95 = tpu.memref_slice %arg6[%dma_wait3A_84, %dma_wait3A_93, %dma_wait3A_94] : memref<2x288x128xf32, #tpu.memory_space<vmem>> -> memref<1x288x128xf32, #tpu.memory_space<vmem>>
    %dma_wait3A_96 = tpu.memref_squeeze %dma_wait3A_95 : memref<1x288x128xf32, #tpu.memory_space<vmem>> -> memref<288x128xf32, #tpu.memory_space<vmem>>
    tpu.wait_dma2 semaphore(%arg10 : memref<!tpu.dma_semaphore, #tpu.memory_space<semaphore_mem>>) src(%dma_wait3A_96 : memref<288x128xf32, #tpu.memory_space<vmem>>) dst(%dma_wait3A_92 : memref<288x128xf32, #tpu.memory_space<hbm>>)
    return
  }
}

module attributes {stable_mosaic.version = 14 : i64} {
  func.func @_argmin_body(%arg0: i32, %arg1: memref<3072x64xf32, #tpu.memory_space<vmem>>, %arg2: memref<64x1024xf32, #tpu.memory_space<vmem>>, %arg3: memref<1x1x3072xf32, #tpu.memory_space<vmem>>, %arg4: memref<1024x1xf32, #tpu.memory_space<vmem>>, %arg5: memref<3072xi32, #tpu.memory_space<vmem>>) attributes {dimension_semantics = [#tpu.dimension_semantics<arbitrary>], iteration_bounds = array<i64: 6>, scalar_prefetch = 0 : i64, scratch_operands = 0 : i64, tpu.core_type = #tpu.core_type<tc>, window_params = [{transform_indices = @transform_0, window_bounds = array<i64: 3072, 64>}, {pipeline_mode = #tpu.pipeline_mode<synchronous>, transform_indices = @transform_1, window_bounds = array<i64: 64, 1024>}, {transform_indices = @transform_2, window_bounds = array<i64: 1, 1, 3072>}, {pipeline_mode = #tpu.pipeline_mode<synchronous>, transform_indices = @transform_3, window_bounds = array<i64: 1024, 1>}, {transform_indices = @transform_4, window_bounds = array<i64: 3072>}]} {
    %get3A = arith.constant 0 : index
    %get3A_0 = arith.constant 0 : index
    %get3A_1 = vector.load %arg2[%get3A, %get3A_0] : memref<64x1024xf32, #tpu.memory_space<vmem>>, vector<64x1024xf32>
    %get3A_2 = arith.constant 0 : index
    %get3A_3 = arith.constant 0 : index
    %get3A_4 = vector.load %arg1[%get3A_2, %get3A_3] : memref<3072x64xf32, #tpu.memory_space<vmem>>, vector<3072x64xf32>
    %get3A_5 = arith.constant 0 : index
    %get3A_6 = arith.constant 0 : index
    %get3A_7 = arith.constant 0 : index
    %get3A_8 = vector.load %arg3[%get3A_5, %get3A_6, %get3A_7] : memref<1x1x3072xf32, #tpu.memory_space<vmem>>, vector<1x1x3072xf32>
    %reshape3A = vector.shape_cast %get3A_8 : vector<1x1x3072xf32> to vector<1x3072xf32>
    %get3A_9 = arith.constant 0 : index
    %get3A_10 = arith.constant 0 : index
    %get3A_11 = vector.load %arg4[%get3A_9, %get3A_10] : memref<1024x1xf32, #tpu.memory_space<vmem>>, vector<1024x1xf32>
    %dot_general3A = arith.constant dense<0.000000e+00> : vector<1024x3072xf32>
    %dot_general3A_12 = tpu.matmul %get3A_1, %get3A_4, %dot_general3A {dimension_numbers = #tpu.dot_dimension_numbers<[0], [1], [1], [0], [0, 1, 1, 0], [], []>, transpose_lhs_hint = false} : vector<64x1024xf32>, vector<3072x64xf32>, vector<1024x3072xf32> -> vector<1024x3072xf32>
    %add3A = vector.broadcast %reshape3A : vector<1x3072xf32> to vector<1024x3072xf32>
    %add3A_13 = arith.addf %add3A, %dot_general3A_12 : vector<1024x3072xf32>
    %add3A_14 = vector.broadcast %get3A_11 : vector<1024x1xf32> to vector<1024x3072xf32>
    %add3A_15 = arith.addf %add3A_13, %add3A_14 : vector<1024x3072xf32>
    %reduce_min3A = arith.constant dense<0x7F800000> : vector<3072xf32>
    %reduce_min3A_16 = vector.multi_reduction <minimumf>, %add3A_15, %reduce_min3A [0] : vector<1024x3072xf32> to vector<3072xf32>
    %broadcast_in_dim3A = vector.shape_cast %reduce_min3A_16 : vector<3072xf32> to vector<1x3072xf32>
    %iota3A = tpu.iota {dimensions = array<i32: 0>} : vector<1024x3072xi32>
    %convert_element_type3A = arith.sitofp %iota3A : vector<1024x3072xi32> to vector<1024x3072xf32>
    %eq3A = vector.broadcast %broadcast_in_dim3A : vector<1x3072xf32> to vector<1024x3072xf32>
    %eq3A_17 = arith.cmpf oeq, %add3A_15, %eq3A : vector<1024x3072xf32>
    %jit3A = arith.constant 1.024000e+03 : f32
    %broadcast_in_dim3A_18 = vector.broadcast %jit3A : f32 to vector<1024x3072xf32>
    %select_n3A = arith.select %eq3A_17, %convert_element_type3A, %broadcast_in_dim3A_18 : vector<1024x3072xi1>, vector<1024x3072xf32>
    %reduce_min3A_19 = arith.constant dense<0x7F800000> : vector<3072xf32>
    %reduce_min3A_20 = vector.multi_reduction <minimumf>, %select_n3A, %reduce_min3A_19 [0] : vector<1024x3072xf32> to vector<3072xf32>
    %convert_element_type3A_21 = arith.fptosi %reduce_min3A_20 : vector<3072xf32> to vector<3072xi32>
    %swap3A = arith.constant 0 : index
    %swap3A_22 = vector.load %arg5[%swap3A] : memref<3072xi32, #tpu.memory_space<vmem>>, vector<3072xi32>
    tpu.vector_store %arg5[%swap3A], %convert_element_type3A_21 {strides = array<i32>} : memref<3072xi32, #tpu.memory_space<vmem>>, vector<3072xi32>,
    return
  }
  func.func @transform_0(%arg0: i32) -> (i32, i32) {
    %c0_i32 = arith.constant 0 : i32
    %c0_i32_0 = arith.constant 0 : i32
    return %arg0, %c0_i32 : i32, i32
  }
  func.func @transform_1(%arg0: i32) -> (i32, i32) {
    %c0_i32 = arith.constant 0 : i32
    %c0_i32_0 = arith.constant 0 : i32
    %c0_i32_1 = arith.constant 0 : i32
    return %c0_i32, %c0_i32_0 : i32, i32
  }
  func.func @transform_2(%arg0: i32) -> (i32, i32, i32) {
    %c0_i32 = arith.constant 0 : i32
    %c0_i32_0 = arith.constant 0 : i32
    %c0_i32_1 = arith.constant 0 : i32
    return %arg0, %c0_i32, %c0_i32_0 : i32, i32, i32
  }
  func.func @transform_3(%arg0: i32) -> (i32, i32) {
    %c0_i32 = arith.constant 0 : i32
    %c0_i32_0 = arith.constant 0 : i32
    %c0_i32_1 = arith.constant 0 : i32
    return %c0_i32, %c0_i32_0 : i32, i32
  }
  func.func @transform_4(%arg0: i32) -> i32 {
    %c0_i32 = arith.constant 0 : i32
    return %arg0 : i32
  }
}

</mosaic_0001>

<sc_bundles>
// kernel: kernel.6.cloned.1.call-start
scs
__scs_entry_jumppad:
0x0: {  	(pc) =	sbr.rel $0x88, $3  }
0x1: {  	(tag) =	ssettag $0x0;
	lr =	simm.s32 $0x1  }
0x2: {  	[smem:$0x3F9F] =	sst lr;
	_ =	strace $0xD0000000  }
0x3: {  	_ = 	snop  }
0x4: {  	_ = 	snop  }
0x5: {  	_ = 	snop  }
0x6: {  	_ = 	snop  }
0x7: {  	_ = 	snop  }
__scs_overlays_trampoline_lowered:
0x8: {  	[smem:$0x3FAE] =	sst s0  }
0x9: {  	[smem:$0x3FAF] =	sst s1  }
0xa: {  	[smem:$0x3FB0] =	sst s2  }
0xb: {  	[smem:$0x3FB1] =	sst s3  }
0xc: {  	[smem:$0x3FB2] =	sst s4  }
0xd: {  	[smem:$0x3FB3] =	sst s5  }
0xe: {  	[smem:$0x3FB4] =	sst s6  }
0xf: {  	[smem:$0x3FB5] =	sst s7  }
0x10: {  	[smem:$0x3FB6] =	sst s8  }
0x11: {  	[smem:$0x3FB7] =	sst s9;
	s0 =	simm.s32 @!p0 $0x0  }
0x12: {  	s1 =	sld [smem:$0x3F9D];
	s0 =	simm.s32 @p0 $0x1  }
0x13: {  	[smem:$0x3FB8] =	sst s0;
	s0 =	simm.s32 @!p1 $0x0  }
0x14: {  	s2 =	sld [smem:$0x3F9C];
	s0 =	simm.s32 @p1 $0x1  }
0x15: {  	[smem:$0x3FB9] =	sst s0;
	s0 =	simm.s32 @!p2 $0x0  }
0x16: {  	s3 =	sld [smem:$0x3FDB];
	s0 =	simm.s32 @p2 $0x1  }
0x17: {  	s4 =	simm.s32 $0x1BF5;
	[smem:$0x3FBB] =	sst s0  }
0x18: {  	s0 =	sld [smem:$0x3F9E];
	_ =	swait.ge [sflag:s4], $0x0  }
0x19: {  	s7 =	sld [smem:$0x3F9F]  }
0x1a: {  	s8 =	sadd.s32 $0xFFFFE003, lr  }
0x1b: {  	s9 =	sadd.s32 $0xFFFFFEF7, lr;
	s5 =	simm.s32 $0xFFFFFFFF;
	p2 =	slt.u32 s8, $0xFFFFF086  }
0x1c: {  	p1 =	slt.u32 s9, $0xF7A;
	s5 =	simm.s32 @!p2 $0x0  }
0x1d: {  	s5 =	simm.s32 @p1 $0x1;
	p0 =	seq.s32 s7, s2  }
0x1e: {  	s7 =	smul.u32 @!p0 $0xF7A, s2;
	p2 =	seq.s32 @!p0 s5, $0x0  }
0x1f: {  	s9 =	smul.u32 $0xF7A, s1;
	s8 =	simm.s32 @!p0 $0x1BF5;
	p2 =	por !p2, p0  }
0x20: {  	[sflag:s8] =	ssyncset.s32 @!p0 $0xFFFFF086;
	s6 =	sadd.s32 @!p0 s3, s7;
	s7 =	simm.s32 @!p0 $0x108  }
0x21: {  	s3 =	sadd.s32 s3, s9;
	s6 =	sadd.s32 @!p0 $0x88, s6;
	s7 =	simm.s32 @p2 $0x1082  }
0x22: {  	[simem:s7], [sflag:s8] =	dma.local @!p0 [hbm:s6], $0xF7A  }
0x23: {  	s9 =	sor.u32 $0xD0000000, s2;
	s6 =	simm.s32 $0x108;
	_ =	swait.ge @!p0 [sflag:s8], $0x0  }
0x24: {  	s3 =	sadd.s32 $0x88, s3;
	s6 =	simm.s32 @!p1 $0x1082;
	[sflag:s4] =	ssyncset.s32 $0xFFFFF086  }
0x25: {  	[simem:s6], [sflag:s4] =	dma.local [hbm:s3], $0xF7A  }
0x26: {  	[smem:$0x3F9F] =	sst s1;
	(tag) =	ssettag s2;
	_ =	strace s9  }
0x27: {  	s1 =	sld [smem:$0x3FAF]  }
0x28: {  	s2 =	sld [smem:$0x3FB0]  }
0x29: {  	s4 =	sld [smem:$0x3FB2]  }
0x2a: {  	p0 =	seq.s32 s5, $0x0;
	s5 =	sld [smem:$0x3FB3]  }
0x2b: {  	s6 =	sld [smem:$0x3FB4]  }
0x2c: {  	s7 =	sld [smem:$0x3FB5]  }
0x2d: {  	s3 =	simm.s32 $0x108;
	s8 =	sld [smem:$0x3FB6]  }
0x2e: {  	s3 =	simm.s32 @!p0 $0x1082;
	s9 =	sld [smem:$0x3FB7]  }
0x2f: {  	lr =	sadd.s32 s0, s3;
	s0 =	sld [smem:$0x3FAE]  }
0x30: {  	s3 =	sld [smem:$0x3FB1]  }
0x31: {  	[smem:$0x3FBA] =	sst s10  }
0x32: {  	s10 =	sld [smem:$0x3FB8];
	_ =	sdelay $0x3  }
0x33: {  	p0 =	seq.s32 s10, $0x1;
	s10 =	sld [smem:$0x3FBA];
	_ =	sdelay $0x3  }
0x34: {  	[smem:$0x3FBA] =	sst s10  }
0x35: {  	s10 =	sld [smem:$0x3FB9];
	_ =	sdelay $0x3  }
0x36: {  	p1 =	seq.s32 s10, $0x1;
	s10 =	sld [smem:$0x3FBA];
	_ =	sdelay $0x3  }
0x37: {  	[smem:$0x3FBA] =	sst s10  }
0x38: {  	s10 =	sld [smem:$0x3FBB]  }
0x39: {  	_ = 	snop;
	(pc) =	sbr.ind lr, $3  }
0x3a: {  	_ = 	snop  }
0x3b: {  	_ = 	snop  }
0x3c: {  	p2 =	seq.s32 s10, $0x1;
	s10 =	sld [smem:$0x3FBA]  }
0x3d: {  	_ =	shalt  }
0x3e: {  	_ =	shalt  }
0x3f: {  	_ =	shalt  }
0x40: {  	_ =	shalt  }
0x41: {  	_ =	shalt  }
0x42: {  	_ =	shalt  }
0x43: {  	_ =	shalt  }
0x44: {  	_ =	shalt  }
0x45: {  	_ =	shalt  }
0x46: {  	_ =	shalt  }
0x47: {  	_ =	shalt  }
0x48: {  	_ =	shalt  }
0x49: {  	_ =	shalt  }
0x4a: {  	_ =	shalt  }
0x4b: {  	_ =	shalt  }
0x4c: {  	_ =	shalt  }
0x4d: {  	_ =	shalt  }
0x4e: {  	_ =	shalt  }
0x4f: {  	_ =	shalt  }
0x50: {  	_ =	shalt  }
0x51: {  	_ =	shalt  }
0x52: {  	_ =	shalt  }
0x53: {  	_ =	shalt  }
0x54: {  	_ =	shalt  }
0x55: {  	_ =	shalt  }
0x56: {  	_ =	shalt  }
0x57: {  	_ =	shalt  }
0x58: {  	_ =	shalt  }
0x59: {  	_ =	shalt  }
0x5a: {  	_ =	shalt  }
0x5b: {  	_ =	shalt  }
0x5c: {  	_ =	shalt  }
0x5d: {  	_ =	shalt  }
0x5e: {  	_ =	shalt  }
0x5f: {  	_ =	shalt  }
0x60: {  	_ =	shalt  }
0x61: {  	_ =	shalt  }
0x62: {  	_ =	shalt  }
0x63: {  	_ =	shalt  }
0x64: {  	_ =	shalt  }
0x65: {  	_ =	shalt  }
0x66: {  	_ =	shalt  }
0x67: {  	_ =	shalt  }
0x68: {  	_ =	shalt  }
0x69: {  	_ =	shalt  }
0x6a: {  	_ =	shalt  }
0x6b: {  	_ =	shalt  }
0x6c: {  	_ =	shalt  }
0x6d: {  	_ =	shalt  }
0x6e: {  	_ =	shalt  }
0x6f: {  	_ =	shalt  }
0x70: {  	_ =	shalt  }
0x71: {  	_ =	shalt  }
0x72: {  	_ =	shalt  }
0x73: {  	_ =	shalt  }
0x74: {  	_ =	shalt  }
0x75: {  	_ =	shalt  }
0x76: {  	_ =	shalt  }
0x77: {  	_ =	shalt  }
0x78: {  	_ =	shalt  }
0x79: {  	_ =	shalt  }
0x7a: {  	_ =	shalt  }
0x7b: {  	_ =	shalt  }
0x7c: {  	_ =	shalt  }
0x7d: {  	_ =	shalt  }
0x7e: {  	_ =	shalt  }
0x7f: {  	_ =	shalt  }
0x80: {  	_ =	shalt  }
0x81: {  	_ =	shalt  }
0x82: {  	_ =	shalt  }
0x83: {  	_ =	shalt  }
0x84: {  	_ =	shalt  }
0x85: {  	_ =	shalt  }
0x86: {  	_ =	shalt  }
0x87: {  	_ =	shalt  }
.Lfunc_end0:
.L_simem_size_0:
called_computation_lowered:
.L_overlay_start_0:
0x88: {  	s2 =	sld [smem:$0x3FD9]  }
0x89: {  	s3 =	sld [smem:$0x3FFE];
	_ =	sdelay $0x1  }
0x8a: {  	s1 =	srdreg.scid  }
0x8b: {  	s0 =	sand.u32 $0x1, s1  }
0x8c: {  	s17 =	sshll.u32 s0, $0xA;
	s2 =	sadd.s32 s3, s2  }
0x8d: {  	s2 =	sadd.s32 s2, s17  }
0x8e: {  	[smem:$0x3FC6] =	sst s2  }
0x8f: {  	_ = 	snop  }
0x90: {  	s18 =	sld [smem:$0x3FD0];
	(tm) =	ssettm $0x1  }
0x91: {  	s19 =	sld [smem:$0x3FFB];
	_ =	sdelay $0x3  }
0x92: {  	_ =	strace s19  }
0x93: {  	s2 =	sld [smem:$0x3FFC];
	_ =	sdelay $0x3  }
0x94: {  	_ =	strace s2  }
0x95: {  	s2 =	sld [smem:$0x3FFD];
	_ =	sdelay $0x3  }
0x96: {  	_ =	strace s2  }
0x97: {  	_ =	strace $0x8FFFFFFF  }
0x98: {  	s20 =	sld [smem:$0x3FDB];
	_ =	sdelay $0x1  }
0x99: {  	s4 =	simm.s32 $_scs_section_size  }
0x9a: {  	s5 =	simm.s32 $_size__tile_overlayer_lowered;
	s6 =	simm.s32 $_tile_overlayer_lowered  }
0x9b: {  	s7 =	simm.s32 $0x1BFF;
	s21 =	sshll.u32 s6, $0x1;
	s4 =	sadd.s32 s4, s20  }
0x9c: {  	s22 =	simm.s32 $0x0;
	s5 =	sshll.u32 s5, $0x1;
	s6 =	sadd.s32 s21, s4  }
0x9d: {  	[timem:s22], [sflag:s7] =	dma.local [hbm:s6], s5  }
0x9e: {  	_ =	swait.ge [sflag:s7], s5  }
0x9f: {  	s5 =	ssub.s32 $0x0, s5;
	[sflag:s7] =	ssyncset.done $0x0  }
0xa0: {  	[sflag:s7] =	ssyncadd.s32 s5;
	_ =	sdelay $0x1  }
0xa1: {  	s23 =	simm.s32 $0x1B8B  }
0xa2: {  	_ =	swait.ge [sflag:s23], $0x1  }
0xa3: {  	[sflag:s23] =	ssyncset.done $0x0  }
0xa4: {  	[sflag:s23] =	ssyncadd.s32 $0xFFFFFFFF  }
0xa5: {  	s5 =	sld [smem:$0x0]  }
0xa6: {  	s6 =	sand.u32 $0xFFFFFFFE, s1  }
0xa7: {  	p0 =	sne.s32 s1, s6  }
0xa8: {  	s6 =	sshll.u32 @p0 s6, $0xE  }
0xa9: {  	s6 =	sadd.s32 @p0 $0x11B8D, s6;
	s7 =	sshll.u32 @p0 s5, $0x11  }
0xaa: {  	s6 =	sor.u32 @p0 s7, s6  }
0xab: {  	[sflag:s6] =	ssyncadd.remote.s32 @p0 $0x1;
	_ =	sdelay $0x1  }
0xac: {  	s6 =	simm.s32 @p0 $0x1B8D  }
0xad: {  	_ =	swait.eq @p0 [sflag:s6], $0x1  }
0xae: {  	[sflag:s6] =	ssyncadd.s32 @p0 $0xFFFFFFFF  }
0xaf: {  	s7 =	sshll.u32 @!p0 s1, $0xE  }
0xb0: {  	s7 =	sor.u32 @!p0 $0x4000, s7;
	s6 =	simm.s32 @!p0 $0x1B8D  }
0xb1: {  	s5 =	sshll.u32 @!p0 s5, $0x11;
	s7 =	sadd.s32 @!p0 $0x11B8D, s7;
	_ =	swait.eq @!p0 [sflag:s6], $0x1  }
0xb2: {  	s5 =	sor.u32 @!p0 s5, s7;
	[sflag:s6] =	ssyncadd.s32 @!p0 $0xFFFFFFFF  }
0xb3: {  	s25 =	simm.s32 $0x1B8E;
	s24 =	sld [smem:$0x3FFE];
	[sflag:s5] =	ssyncadd.remote.s32 @!p0 $0x1  }
0xb4: {  	s26 =	simm.s32 $execute0_lowered;
	[smem:$0x3FD2] =	sst s25  }
0xb5: {  	s6 =	sshll.u32 s26, $0x1;
	_ =	strace $0x80000049;
	[dreg:$0x1] =	wrdreg $0xFFFFFFFF  }
0xb6: {  	s28 =	simm.s32 $_size_execute0_lowered;
	s4 =	sadd.s32 s4, s6;
	[dreg:$0x0] =	wrdreg $0x0  }
0xb7: {  	s6 =	sshll.u32 s28, $0x1;
	[dreg:$0x2] =	wrdreg s4  }
0xb8: {  	[dreg:$0x3] =	wrdreg s6  }
0xb9: {  	[dreg:$0x4] =	wrdreg $0xC0  }
0xba: {  	_ =	task [dreg:s22], $0x5FFFF  }
0xbb: {  	[dreg:$0x1] =	wrdreg $0xFFFFFFFF  }
0xbc: {  	[dreg:$0x0] =	wrdreg $0x60  }
0xbd: {  	[dreg:$0x2] =	wrdreg s24  }
0xbe: {  	[dreg:$0x3] =	wrdreg s18  }
0xbf: {  	[dreg:$0x4] =	wrdreg $0x9  }
0xc0: {  	_ =	task.clear_ibuf [dreg:s22], $0x5FFFF;
	_ =	strace $0x90000049  }
0xc1: {  	s29 =	simm.s32 $0x9;
	_ =	strace $0x8000004B  }
0xc2: {  	_ =	swait.ge [sflag:s29], $0x1  }
0xc3: {  	[sflag:s29] =	ssyncadd.s32 $0xFFFFFFFF  }
0xc4: {  	_ =	strace $0x9000004B  }
0xc5: {  	_ =	sfence  }
0xc6: {  	s30 =	sld [smem:$0x0];
	_ =	sdelay $0x2  }
0xc7: {  	s31 =	sshll.u32 s1, $0xD;
	s1 =	sshrl.u32 s1, $0x2  }
0xc8: {  	s4 =	sand.u32 $0x4000, s31;
	s1 =	sadd.s32 s1, s30  }
0xc9: {  	s0 =	sor.u32 s4, s0;
	s1 =	sshll.u32 s1, $0x11  }
0xca: {  	s0 =	sor.u32 s1, s0  }
0xcb: {  	s0 =	sadd.s32 $0x8F2B, s0  }
0xcc: {  	[sflag:s0] =	ssyncadd.remote.s32 $0x1  }
0xcd: {  	_ =	sfence.sel $0xFFFF  }
0xce: {  	[dreg:$0x0] =	wrdreg $0xFFFFFFFF;
	(pc) =	sbr.abs _section_cstart, $3  }
0xcf: {  	[dreg:$0x1] =	wrdreg $0xFFFFFFFF  }
0xd0: {  	_ =	task.clear_ibuf [dreg:s22], $0x2FFFF;
	_ =	strace $0x9FFFFFFF  }
0xd1: {  	(tm) =	ssettm $0x7FFFFFFF  }
tec
execute0_lowered:
.L_overlay_start_1:
0x0: {  	(tag) =	ssettag $0x1  }
0x1: {  	s1 =	srdreg.scid;
	s0 =	stileid.u32  }
0x2: {  	s12 =	sand.u32 $0x1, s1;
	s29 =	sshll.u32 s0, $0x1  }
0x3: {  	s11 =	sor.u32 s12, s29  }
0x4: {  	s5 =	rddreg [dreg:$0x0];
	s3 =	smul.u32 $0x48, s11  }
0x5: {  	s13 =	rddreg [dreg:$0x1];
	s2 =	simm.s32 $0x0  }
0x6: {  	s4 =	simm.s32 $0x5;
	[smem:$0x7FF] =	sst s2;
	s3 =	sadd.s32 s3, s5  }
0x7: {  	s1 =	rddreg [dreg:$0x2];
	_ =	strace $0x8000004A;
	s3 =	sadd.s32 $0x4DC00, s3  }
0x8: {  	[tilespmem:s2], [sflag:$0x5] =	stream.linear.gather [hbm4b:s3+s2], $0x240, $0x38;
	[tilespmem:$0x12280] =	vst v63  }
0x9: {  	_ =	swait.ge [sflag:s4], $0x240  }
0xa: {  	s6 =	simm.s32 $0x120;
	[sflag:s4] =	ssyncset.done $0x0  }
0xb: {  	s7 =	simm.s32 $0x280;
	s5 =	sadd.s32 $0x1200, s5;
	[sflag:s4] =	ssyncadd.s32 $0xFFFFFDC0  }
0xc: {  	[tilespmem:s7], [sflag:$0x1] =	stream.indirect.gather [hbm4b:s5+s6], $0x80, s2, s6, $0xb8;
	[tilespmem:$0x12280] =	vst v63  }
0xd: {  	s8 =	simm.s32 $0x9280;
	s9 =	simm.s32 $0x1;
	s10 =	smul.u32 $0x2400, s11  }
0xe: {  	[tilespmem:s8], [sflag:$0x2] =	stream.indirect.gather [hbm4b:s5+s6], $0x80, s6, s6, $0xb8;
	[tilespmem:$0x12280] =	vst v63  }
0xf: {  	s15 =	ssub.s32 $0x2, s12;
	s14 =	smul.u32 $0x12000, s11;
	_ =	swait.ge [sflag:s9], $0x9000  }
0x10: {  	s11 =	simm.s32 $0x2;
	s31 =	sshrl.u32 s15, $0x1;
	[sflag:s9] =	ssyncset.done $0x0  }
0x11: {  	s10 =	sadd.s32 s13, s10;
	s14 =	sshrl.u32 s14, $0x3;
	[sflag:s9] =	ssyncadd.s32 $0xFFFF7000  }
0x12: {  	[hbm4b:s10+s2] =	stream.linear.scatter [tilespmem:s7], [sflag:$0x3], $0x9000, $0x38;
	[tilespmem:$0x12280] =	vst v63  }
0x13: {  	s30 =	sadd.s32 s13, s14;
	s14 =	ssub.s32 s15, s31;
	_ =	swait.ge [sflag:s11], $0x9000  }
0x14: {  	s13 =	simm.s32 $0x3;
	s15 =	smax.u32 s14, $0x1;
	[sflag:s11] =	ssyncset.done $0x0  }
0x15: {  	s12 =	sadd.s32 $0x1200, s30;
	p0 =	sne.s32 s15, $0x1;
	[sflag:s11] =	ssyncadd.s32 $0xFFFF7000  }
0x16: {  	[hbm4b:s12+s2] =	stream.linear.scatter [tilespmem:s8], [sflag:$0x4], $0x9000, $0x38;
	[tilespmem:$0x12280] =	vst v63  }
.Ltmp0:
0x17: {  	_ =	swait.ge [sflag:s13], $0x9000;
	(pc) =	sbr.rel @!p0 .LBB2_2-.Ltmp0, $4  }
0x18: {  	[sflag:s13] =	ssyncset.done $0x0  }
0x19: {  	s14 =	simm.s32 $0x4;
	[sflag:s13] =	ssyncadd.s32 $0xFFFF7000  }
0x1a: {  	_ =	swait.ge [sflag:s14], $0x9000  }
0x1b: {  	s15 =	sadd.s32 $0xFFFFFFFF, s15;
	[sflag:s14] =	ssyncset.done $0x0  }
.LBB2_1:
0x1c: {  	p0 =	sne.s32 s15, $0x1;
	s15 =	sadd.s32 $0xFFFFFFFF, s15;
	[sflag:s14] =	ssyncadd.s32 $0xFFFF7000  }
0x1d: {  	[tilespmem:s2], [sflag:$0x5] =	stream.linear.gather [hbm4b:s3+s2], $0x240, $0x38;
	[tilespmem:$0x12280] =	vst v63  }
0x1e: {  	_ =	swait.ge [sflag:s4], $0x240  }
0x1f: {  	[sflag:s4] =	ssyncset.done $0x0  }
0x20: {  	[sflag:s4] =	ssyncadd.s32 $0xFFFFFDC0  }
0x21: {  	[tilespmem:s7], [sflag:$0x1] =	stream.indirect.gather [hbm4b:s5+s6], $0x80, s2, s6, $0xb8;
	[tilespmem:$0x12280] =	vst v63  }
0x22: {  	_ = 	snop  }
0x23: {  	[tilespmem:s8], [sflag:$0x2] =	stream.indirect.gather [hbm4b:s5+s6], $0x80, s6, s6, $0xb8;
	[tilespmem:$0x12280] =	vst v63  }
0x24: {  	_ =	swait.ge [sflag:s9], $0x9000  }
0x25: {  	[sflag:s9] =	ssyncset.done $0x0  }
0x26: {  	[sflag:s9] =	ssyncadd.s32 $0xFFFF7000  }
0x27: {  	[hbm4b:s10+s2] =	stream.linear.scatter [tilespmem:s7], [sflag:$0x3], $0x9000, $0x38;
	[tilespmem:$0x12280] =	vst v63  }
0x28: {  	_ =	swait.ge [sflag:s11], $0x9000  }
0x29: {  	[sflag:s11] =	ssyncset.done $0x0  }
0x2a: {  	[sflag:s11] =	ssyncadd.s32 $0xFFFF7000  }
0x2b: {  	[hbm4b:s12+s2] =	stream.linear.scatter [tilespmem:s8], [sflag:$0x4], $0x9000, $0x38;
	[tilespmem:$0x12280] =	vst v63  }
.Ltmp1:
0x2c: {  	_ =	swait.ge [sflag:s13], $0x9000;
	(pc) =	sbr.rel @p0 .LBB2_1-.Ltmp1, $4  }
0x2d: {  	[sflag:s13] =	ssyncset.done $0x0  }
0x2e: {  	[sflag:s13] =	ssyncadd.s32 $0xFFFF7000  }
0x2f: {  	_ =	swait.ge [sflag:s14], $0x9000  }
0x30: {  	[sflag:s14] =	ssyncset.done $0x0  }
.LBB2_2:
0x31: {  	[sflag:s14] =	ssyncadd.s32 $0xFFFF7000  }
0x32: {  	_ =	sfence.sel $0x180000  }
0x33: {  	[bflag:$0x0] =	sbarrier.arrive $0xFFFF  }
0x34: {  	p0 =	sne.s32 s0, $0x0;
	_ =	strace $0x9000004A  }
0x35: {  	s0 =	sadd.s32 @!p0 $0x100000, s1;
	[bflag:$0x2] =	sbarrier.arrive $0xFFFF  }
0x36: {  	[sflag:s0] =	ssyncadd.tile.s32 @!p0 $0x1;
	_ =	shalt  }
.Lfunc_end2:
_tile_overlayer_lowered:
.L_overlay_start_2:
0x37: {  	(tag) =	ssettag $0x2  }
0x38: {  	s0 =	rddreg [dreg:$0x0];
	s2 =	stileid.u32  }
0x39: {  	s1 =	rddreg [dreg:$0x1];
	p0 =	sne.s32 s2, $0x0  }
0x3a: {  	s3 =	rddreg [dreg:$0x2];
	[bflag:$0x3] =	sbarrier.arrive $0xFFFF;
	s2 =	simm.s32 @!p0 $0x1C05  }
0x3b: {  	[timem:s3], [sflag:s2] =	dma.local @!p0 [hbm:s0], s1  }
0x3c: {  	s0 =	simm.s32 @!p0 $0x5  }
0x3d: {  	_ =	swait.ge @!p0 [sflag:s0], s1  }
0x3e: {  	s1 =	ssub.s32 @!p0 $0x0, s1;
	[sflag:s0] =	ssyncset.done @!p0 $0x0  }
0x3f: {  	[sflag:s0] =	ssyncadd.s32 @!p0 s1  }
0x40: {  	[bflag:$0x3] =	sbarrier.arrive $0xFFFF  }
0x41: {  	_ =	shalt  }

// kernel: kernel.9.cloned.1.call-start
scs
__scs_entry_jumppad:
0x0: {  	(pc) =	sbr.rel $0x88, $3  }
0x1: {  	(tag) =	ssettag $0x0;
	lr =	simm.s32 $0x1  }
0x2: {  	[smem:$0x3F9F] =	sst lr;
	_ =	strace $0xD0000000  }
0x3: {  	_ = 	snop  }
0x4: {  	_ = 	snop  }
0x5: {  	_ = 	snop  }
0x6: {  	_ = 	snop  }
0x7: {  	_ = 	snop  }
__scs_overlays_trampoline_lowered:
0x8: {  	[smem:$0x3FAE] =	sst s0  }
0x9: {  	[smem:$0x3FAF] =	sst s1  }
0xa: {  	[smem:$0x3FB0] =	sst s2  }
0xb: {  	[smem:$0x3FB1] =	sst s3  }
0xc: {  	[smem:$0x3FB2] =	sst s4  }
0xd: {  	[smem:$0x3FB3] =	sst s5  }
0xe: {  	[smem:$0x3FB4] =	sst s6  }
0xf: {  	[smem:$0x3FB5] =	sst s7  }
0x10: {  	[smem:$0x3FB6] =	sst s8  }
0x11: {  	[smem:$0x3FB7] =	sst s9;
	s0 =	simm.s32 @!p0 $0x0  }
0x12: {  	s1 =	sld [smem:$0x3F9D];
	s0 =	simm.s32 @p0 $0x1  }
0x13: {  	[smem:$0x3FB8] =	sst s0;
	s0 =	simm.s32 @!p1 $0x0  }
0x14: {  	s2 =	sld [smem:$0x3F9C];
	s0 =	simm.s32 @p1 $0x1  }
0x15: {  	[smem:$0x3FB9] =	sst s0;
	s0 =	simm.s32 @!p2 $0x0  }
0x16: {  	s3 =	sld [smem:$0x3FDB];
	s0 =	simm.s32 @p2 $0x1  }
0x17: {  	s4 =	simm.s32 $0x1BF5;
	[smem:$0x3FBB] =	sst s0  }
0x18: {  	s0 =	sld [smem:$0x3F9E];
	_ =	swait.ge [sflag:s4], $0x0  }
0x19: {  	s7 =	sld [smem:$0x3F9F]  }
0x1a: {  	s8 =	sadd.s32 $0xFFFFE003, lr  }
0x1b: {  	s9 =	sadd.s32 $0xFFFFFEF7, lr;
	s5 =	simm.s32 $0xFFFFFFFF;
	p2 =	slt.u32 s8, $0xFFFFF086  }
0x1c: {  	p1 =	slt.u32 s9, $0xF7A;
	s5 =	simm.s32 @!p2 $0x0  }
0x1d: {  	s5 =	simm.s32 @p1 $0x1;
	p0 =	seq.s32 s7, s2  }
0x1e: {  	s7 =	smul.u32 @!p0 $0xF7A, s2;
	p2 =	seq.s32 @!p0 s5, $0x0  }
0x1f: {  	s9 =	smul.u32 $0xF7A, s1;
	s8 =	simm.s32 @!p0 $0x1BF5;
	p2 =	por !p2, p0  }
0x20: {  	[sflag:s8] =	ssyncset.s32 @!p0 $0xFFFFF086;
	s6 =	sadd.s32 @!p0 s3, s7;
	s7 =	simm.s32 @!p0 $0x108  }
0x21: {  	s3 =	sadd.s32 s3, s9;
	s6 =	sadd.s32 @!p0 $0x88, s6;
	s7 =	simm.s32 @p2 $0x1082  }
0x22: {  	[simem:s7], [sflag:s8] =	dma.local @!p0 [hbm:s6], $0xF7A  }
0x23: {  	s9 =	sor.u32 $0xD0000000, s2;
	s6 =	simm.s32 $0x108;
	_ =	swait.ge @!p0 [sflag:s8], $0x0  }
0x24: {  	s3 =	sadd.s32 $0x88, s3;
	s6 =	simm.s32 @!p1 $0x1082;
	[sflag:s4] =	ssyncset.s32 $0xFFFFF086  }
0x25: {  	[simem:s6], [sflag:s4] =	dma.local [hbm:s3], $0xF7A  }
0x26: {  	[smem:$0x3F9F] =	sst s1;
	(tag) =	ssettag s2;
	_ =	strace s9  }
0x27: {  	s1 =	sld [smem:$0x3FAF]  }
0x28: {  	s2 =	sld [smem:$0x3FB0]  }
0x29: {  	s4 =	sld [smem:$0x3FB2]  }
0x2a: {  	p0 =	seq.s32 s5, $0x0;
	s5 =	sld [smem:$0x3FB3]  }
0x2b: {  	s6 =	sld [smem:$0x3FB4]  }
0x2c: {  	s7 =	sld [smem:$0x3FB5]  }
0x2d: {  	s3 =	simm.s32 $0x108;
	s8 =	sld [smem:$0x3FB6]  }
0x2e: {  	s3 =	simm.s32 @!p0 $0x1082;
	s9 =	sld [smem:$0x3FB7]  }
0x2f: {  	lr =	sadd.s32 s0, s3;
	s0 =	sld [smem:$0x3FAE]  }
0x30: {  	s3 =	sld [smem:$0x3FB1]  }
0x31: {  	[smem:$0x3FBA] =	sst s10  }
0x32: {  	s10 =	sld [smem:$0x3FB8];
	_ =	sdelay $0x3  }
0x33: {  	p0 =	seq.s32 s10, $0x1;
	s10 =	sld [smem:$0x3FBA];
	_ =	sdelay $0x3  }
0x34: {  	[smem:$0x3FBA] =	sst s10  }
0x35: {  	s10 =	sld [smem:$0x3FB9];
	_ =	sdelay $0x3  }
0x36: {  	p1 =	seq.s32 s10, $0x1;
	s10 =	sld [smem:$0x3FBA];
	_ =	sdelay $0x3  }
0x37: {  	[smem:$0x3FBA] =	sst s10  }
0x38: {  	s10 =	sld [smem:$0x3FBB]  }
0x39: {  	_ = 	snop;
	(pc) =	sbr.ind lr, $3  }
0x3a: {  	_ = 	snop  }
0x3b: {  	_ = 	snop  }
0x3c: {  	p2 =	seq.s32 s10, $0x1;
	s10 =	sld [smem:$0x3FBA]  }
0x3d: {  	_ =	shalt  }
0x3e: {  	_ =	shalt  }
0x3f: {  	_ =	shalt  }
0x40: {  	_ =	shalt  }
0x41: {  	_ =	shalt  }
0x42: {  	_ =	shalt  }
0x43: {  	_ =	shalt  }
0x44: {  	_ =	shalt  }
0x45: {  	_ =	shalt  }
0x46: {  	_ =	shalt  }
0x47: {  	_ =	shalt  }
0x48: {  	_ =	shalt  }
0x49: {  	_ =	shalt  }
0x4a: {  	_ =	shalt  }
0x4b: {  	_ =	shalt  }
0x4c: {  	_ =	shalt  }
0x4d: {  	_ =	shalt  }
0x4e: {  	_ =	shalt  }
0x4f: {  	_ =	shalt  }
0x50: {  	_ =	shalt  }
0x51: {  	_ =	shalt  }
0x52: {  	_ =	shalt  }
0x53: {  	_ =	shalt  }
0x54: {  	_ =	shalt  }
0x55: {  	_ =	shalt  }
0x56: {  	_ =	shalt  }
0x57: {  	_ =	shalt  }
0x58: {  	_ =	shalt  }
0x59: {  	_ =	shalt  }
0x5a: {  	_ =	shalt  }
0x5b: {  	_ =	shalt  }
0x5c: {  	_ =	shalt  }
0x5d: {  	_ =	shalt  }
0x5e: {  	_ =	shalt  }
0x5f: {  	_ =	shalt  }
0x60: {  	_ =	shalt  }
0x61: {  	_ =	shalt  }
0x62: {  	_ =	shalt  }
0x63: {  	_ =	shalt  }
0x64: {  	_ =	shalt  }
0x65: {  	_ =	shalt  }
0x66: {  	_ =	shalt  }
0x67: {  	_ =	shalt  }
0x68: {  	_ =	shalt  }
0x69: {  	_ =	shalt  }
0x6a: {  	_ =	shalt  }
0x6b: {  	_ =	shalt  }
0x6c: {  	_ =	shalt  }
0x6d: {  	_ =	shalt  }
0x6e: {  	_ =	shalt  }
0x6f: {  	_ =	shalt  }
0x70: {  	_ =	shalt  }
0x71: {  	_ =	shalt  }
0x72: {  	_ =	shalt  }
0x73: {  	_ =	shalt  }
0x74: {  	_ =	shalt  }
0x75: {  	_ =	shalt  }
0x76: {  	_ =	shalt  }
0x77: {  	_ =	shalt  }
0x78: {  	_ =	shalt  }
0x79: {  	_ =	shalt  }
0x7a: {  	_ =	shalt  }
0x7b: {  	_ =	shalt  }
0x7c: {  	_ =	shalt  }
0x7d: {  	_ =	shalt  }
0x7e: {  	_ =	shalt  }
0x7f: {  	_ =	shalt  }
0x80: {  	_ =	shalt  }
0x81: {  	_ =	shalt  }
0x82: {  	_ =	shalt  }
0x83: {  	_ =	shalt  }
0x84: {  	_ =	shalt  }
0x85: {  	_ =	shalt  }
0x86: {  	_ =	shalt  }
0x87: {  	_ =	shalt  }
.Lfunc_end0:
.L_simem_size_0:
called_computation.1_lowered:
.L_overlay_start_0:
0x88: {  	s2 =	sld [smem:$0x3FD9]  }
0x89: {  	s3 =	sld [smem:$0x3FFE];
	_ =	sdelay $0x1  }
0x8a: {  	s1 =	srdreg.scid  }
0x8b: {  	s0 =	sand.u32 $0x1, s1  }
0x8c: {  	s16 =	sshll.u32 s0, $0xA;
	s2 =	sadd.s32 s3, s2  }
0x8d: {  	s2 =	sadd.s32 s2, s16  }
0x8e: {  	[smem:$0x3FC6] =	sst s2  }
0x8f: {  	_ = 	snop  }
0x90: {  	(tm) =	ssettm $0x1  }
0x91: {  	s17 =	sld [smem:$0x3FFB];
	_ =	sdelay $0x3  }
0x92: {  	_ =	strace s17  }
0x93: {  	s2 =	sld [smem:$0x3FFC];
	_ =	sdelay $0x3  }
0x94: {  	_ =	strace s2  }
0x95: {  	s2 =	sld [smem:$0x3FFD];
	_ =	sdelay $0x3  }
0x96: {  	_ =	strace s2  }
0x97: {  	_ =	strace $0x8FFFFFFF  }
0x98: {  	s18 =	sld [smem:$0x3FDB];
	_ =	sdelay $0x1  }
0x99: {  	s19 =	simm.s32 $_scs_section_size  }
0x9a: {  	s4 =	simm.s32 $_size__tile_overlayer_lowered;
	s5 =	simm.s32 $_tile_overlayer_lowered  }
0x9b: {  	s22 =	simm.s32 $0x1BFF;
	s21 =	sshll.u32 s5, $0x1;
	s2 =	sadd.s32 s19, s18  }
0x9c: {  	s6 =	simm.s32 $0x0;
	s20 =	sshll.u32 s4, $0x1;
	s4 =	sadd.s32 s21, s2  }
0x9d: {  	[timem:s6], [sflag:s22] =	dma.local [hbm:s4], s20  }
0x9e: {  	_ =	swait.ge [sflag:s22], s20  }
0x9f: {  	s3 =	ssub.s32 $0x0, s20;
	[sflag:s22] =	ssyncset.done $0x0  }
0xa0: {  	[sflag:s22] =	ssyncadd.s32 s3;
	_ =	sdelay $0x1  }
0xa1: {  	s23 =	simm.s32 $0x1B8B  }
0xa2: {  	_ =	swait.ge [sflag:s23], $0x1  }
0xa3: {  	[sflag:s23] =	ssyncset.done $0x0  }
0xa4: {  	s25 =	simm.s32 $0x1B8E;
	s24 =	sld [smem:$0x3FFE];
	[sflag:s23] =	ssyncadd.s32 $0xFFFFFFFF  }
0xa5: {  	s26 =	simm.s32 $execute0_lowered;
	[smem:$0x3FD2] =	sst s25  }
0xa6: {  	s4 =	sshll.u32 s26, $0x1;
	_ =	strace $0x80000046;
	[dreg:$0x1] =	wrdreg $0xFFFFFFFF  }
0xa7: {  	s28 =	simm.s32 $_size_execute0_lowered;
	s2 =	sadd.s32 s2, s4;
	[dreg:$0x0] =	wrdreg $0x0  }
0xa8: {  	s4 =	sshll.u32 s28, $0x1;
	[dreg:$0x2] =	wrdreg s2  }
0xa9: {  	[dreg:$0x3] =	wrdreg s4  }
0xaa: {  	[dreg:$0x4] =	wrdreg $0xC0  }
0xab: {  	_ =	task [dreg:s6], $0x5FFFF  }
0xac: {  	[dreg:$0x1] =	wrdreg $0xFFFFFFFF  }
0xad: {  	[dreg:$0x0] =	wrdreg $0x60  }
0xae: {  	[dreg:$0x2] =	wrdreg s24  }
0xaf: {  	[dreg:$0x3] =	wrdreg $0xA  }
0xb0: {  	_ =	task.clear_ibuf [dreg:s6], $0x4FFFF;
	_ =	strace $0x90000046  }
0xb1: {  	s29 =	simm.s32 $0xA;
	_ =	strace $0x80000048  }
0xb2: {  	_ =	swait.ge [sflag:s29], $0x1  }
0xb3: {  	[sflag:s29] =	ssyncadd.s32 $0xFFFFFFFF  }
0xb4: {  	_ =	strace $0x90000048  }
0xb5: {  	_ =	sfence  }
0xb6: {  	s30 =	sld [smem:$0x0];
	_ =	sdelay $0x2  }
0xb7: {  	s31 =	sshll.u32 s1, $0xD;
	s1 =	sshrl.u32 s1, $0x2  }
0xb8: {  	s3 =	sand.u32 $0x4000, s31;
	s1 =	sadd.s32 s1, s30  }
0xb9: {  	s0 =	sor.u32 s3, s0;
	s1 =	sshll.u32 s1, $0x11  }
0xba: {  	s0 =	sor.u32 s1, s0  }
0xbb: {  	s0 =	sadd.s32 $0x8F2B, s0  }
0xbc: {  	[sflag:s0] =	ssyncadd.remote.s32 $0x1  }
0xbd: {  	_ =	sfence.sel $0xFFFF  }
0xbe: {  	[dreg:$0x0] =	wrdreg $0xFFFFFFFF;
	(pc) =	sbr.abs _section_cstart, $3  }
0xbf: {  	[dreg:$0x1] =	wrdreg $0xFFFFFFFF  }
0xc0: {  	_ =	task.clear_ibuf [dreg:s6], $0x2FFFF;
	_ =	strace $0x9FFFFFFF  }
0xc1: {  	(tm) =	ssettm $0x7FFFFFFF  }
tec
execute0_lowered:
.L_overlay_start_1:
0x0: {  	(tag) =	ssettag $0x1  }
0x1: {  	s1 =	srdreg.scid;
	s0 =	stileid.u32  }
0x2: {  	s12 =	sand.u32 $0x1, s1;
	s28 =	sshll.u32 s0, $0x1  }
0x3: {  	s11 =	sor.u32 s12, s28  }
0x4: {  	s3 =	smul.u32 $0x48, s11  }
0x5: {  	s10 =	rddreg [dreg:$0x0];
	s2 =	simm.s32 $0x0  }
0x6: {  	s4 =	simm.s32 $0x5;
	[smem:$0x7FF] =	sst s2;
	s3 =	sadd.s32 s3, s10  }
0x7: {  	s1 =	rddreg [dreg:$0x1];
	_ =	strace $0x80000047;
	s3 =	sadd.s32 $0x5200, s3  }
0x8: {  	[tilespmem:s2], [sflag:$0x5] =	stream.linear.gather [hbm4b:s3+s2], $0x240, $0x38;
	[tilespmem:$0x12280] =	vst v63  }
0x9: {  	_ =	swait.ge [sflag:s4], $0x240  }
0xa: {  	s6 =	simm.s32 $0x120;
	s7 =	simm.s32 $0x280;
	[sflag:s4] =	ssyncset.done $0x0  }
0xb: {  	s8 =	simm.s32 $0x9280;
	s5 =	sadd.s32 $0x1200, s10;
	[sflag:s4] =	ssyncadd.s32 $0xFFFFFDC0  }
0xc: {  	[tilespmem:s7], [sflag:$0x1] =	stream.indirect.gather [hbm4b:s5+s6], $0x80, s2, s6, $0xb8;
	[tilespmem:$0x12280] =	vst v63  }
0xd: {  	s9 =	simm.s32 $0x1;
	s14 =	sadd.s32 $0x5C00, s10;
	s13 =	smul.u32 $0x2400, s11  }
0xe: {  	[tilespmem:s8], [sflag:$0x2] =	stream.indirect.gather [hbm4b:s5+s6], $0x80, s6, s6, $0xb8;
	[tilespmem:$0x12280] =	vst v63  }
0xf: {  	s15 =	ssub.s32 $0x2, s12;
	s29 =	smul.u32 $0x12000, s11;
	_ =	swait.ge [sflag:s9], $0x9000  }
0x10: {  	s11 =	simm.s32 $0x2;
	s31 =	sshrl.u32 s15, $0x1;
	[sflag:s9] =	ssyncset.done $0x0  }
0x11: {  	s10 =	sadd.s32 s14, s13;
	s13 =	sshrl.u32 s29, $0x3;
	[sflag:s9] =	ssyncadd.s32 $0xFFFF7000  }
0x12: {  	[hbm4b:s10+s2] =	stream.linear.scatter [tilespmem:s7], [sflag:$0x3], $0x9000, $0x38;
	[tilespmem:$0x12280] =	vst v63  }
0x13: {  	s30 =	sadd.s32 s14, s13;
	s14 =	ssub.s32 s15, s31;
	_ =	swait.ge [sflag:s11], $0x9000  }
0x14: {  	s13 =	simm.s32 $0x3;
	s15 =	smax.u32 s14, $0x1;
	[sflag:s11] =	ssyncset.done $0x0  }
0x15: {  	s12 =	sadd.s32 $0x1200, s30;
	p0 =	sne.s32 s15, $0x1;
	[sflag:s11] =	ssyncadd.s32 $0xFFFF7000  }
0x16: {  	[hbm4b:s12+s2] =	stream.linear.scatter [tilespmem:s8], [sflag:$0x4], $0x9000, $0x38;
	[tilespmem:$0x12280] =	vst v63  }
.Ltmp0:
0x17: {  	_ =	swait.ge [sflag:s13], $0x9000;
	(pc) =	sbr.rel @!p0 .LBB2_2-.Ltmp0, $4  }
0x18: {  	[sflag:s13] =	ssyncset.done $0x0  }
0x19: {  	s14 =	simm.s32 $0x4;
	[sflag:s13] =	ssyncadd.s32 $0xFFFF7000  }
0x1a: {  	_ =	swait.ge [sflag:s14], $0x9000  }
0x1b: {  	s15 =	sadd.s32 $0xFFFFFFFF, s15;
	[sflag:s14] =	ssyncset.done $0x0  }
.LBB2_1:
0x1c: {  	p0 =	sne.s32 s15, $0x1;
	s15 =	sadd.s32 $0xFFFFFFFF, s15;
	[sflag:s14] =	ssyncadd.s32 $0xFFFF7000  }
0x1d: {  	[tilespmem:s2], [sflag:$0x5] =	stream.linear.gather [hbm4b:s3+s2], $0x240, $0x38;
	[tilespmem:$0x12280] =	vst v63  }
0x1e: {  	_ =	swait.ge [sflag:s4], $0x240  }
0x1f: {  	[sflag:s4] =	ssyncset.done $0x0  }
0x20: {  	[sflag:s4] =	ssyncadd.s32 $0xFFFFFDC0  }
0x21: {  	[tilespmem:s7], [sflag:$0x1] =	stream.indirect.gather [hbm4b:s5+s6], $0x80, s2, s6, $0xb8;
	[tilespmem:$0x12280] =	vst v63  }
0x22: {  	_ = 	snop  }
0x23: {  	[tilespmem:s8], [sflag:$0x2] =	stream.indirect.gather [hbm4b:s5+s6], $0x80, s6, s6, $0xb8;
	[tilespmem:$0x12280] =	vst v63  }
0x24: {  	_ =	swait.ge [sflag:s9], $0x9000  }
0x25: {  	[sflag:s9] =	ssyncset.done $0x0  }
0x26: {  	[sflag:s9] =	ssyncadd.s32 $0xFFFF7000  }
0x27: {  	[hbm4b:s10+s2] =	stream.linear.scatter [tilespmem:s7], [sflag:$0x3], $0x9000, $0x38;
	[tilespmem:$0x12280] =	vst v63  }
0x28: {  	_ =	swait.ge [sflag:s11], $0x9000  }
0x29: {  	[sflag:s11] =	ssyncset.done $0x0  }
0x2a: {  	[sflag:s11] =	ssyncadd.s32 $0xFFFF7000  }
0x2b: {  	[hbm4b:s12+s2] =	stream.linear.scatter [tilespmem:s8], [sflag:$0x4], $0x9000, $0x38;
	[tilespmem:$0x12280] =	vst v63  }
.Ltmp1:
0x2c: {  	_ =	swait.ge [sflag:s13], $0x9000;
	(pc) =	sbr.rel @p0 .LBB2_1-.Ltmp1, $4  }
0x2d: {  	[sflag:s13] =	ssyncset.done $0x0  }
0x2e: {  	[sflag:s13] =	ssyncadd.s32 $0xFFFF7000  }
0x2f: {  	_ =	swait.ge [sflag:s14], $0x9000  }
0x30: {  	[sflag:s14] =	ssyncset.done $0x0  }
.LBB2_2:
0x31: {  	[sflag:s14] =	ssyncadd.s32 $0xFFFF7000  }
0x32: {  	_ =	sfence.sel $0x180000  }
0x33: {  	[bflag:$0x0] =	sbarrier.arrive $0xFFFF  }
0x34: {  	p0 =	sne.s32 s0, $0x0;
	_ =	strace $0x90000047  }
0x35: {  	s0 =	sadd.s32 @!p0 $0x100000, s1;
	[bflag:$0x2] =	sbarrier.arrive $0xFFFF  }
0x36: {  	[sflag:s0] =	ssyncadd.tile.s32 @!p0 $0x1;
	_ =	shalt  }
.Lfunc_end2:
_tile_overlayer_lowered:
.L_overlay_start_2:
0x37: {  	(tag) =	ssettag $0x2  }
0x38: {  	s0 =	rddreg [dreg:$0x0];
	s2 =	stileid.u32  }
0x39: {  	s1 =	rddreg [dreg:$0x1];
	p0 =	sne.s32 s2, $0x0  }
0x3a: {  	s3 =	rddreg [dreg:$0x2];
	[bflag:$0x3] =	sbarrier.arrive $0xFFFF;
	s2 =	simm.s32 @!p0 $0x1C05  }
0x3b: {  	[timem:s3], [sflag:s2] =	dma.local @!p0 [hbm:s0], s1  }
0x3c: {  	s0 =	simm.s32 @!p0 $0x5  }
0x3d: {  	_ =	swait.ge @!p0 [sflag:s0], s1  }
0x3e: {  	s1 =	ssub.s32 @!p0 $0x0, s1;
	[sflag:s0] =	ssyncset.done @!p0 $0x0  }
0x3f: {  	[sflag:s0] =	ssyncadd.s32 @!p0 s1  }
0x40: {  	[bflag:$0x3] =	sbarrier.arrive $0xFFFF  }
0x41: {  	_ =	shalt  }

</sc_bundles>
